<compile_context>
chip_gen: v7x
topology: tpu7x:2x2x1
jax: 0.10.2.dev20260603
libtpu: 0.0.44.dev20260713+nightly
codegen_flags: <defaults>
</compile_context>

<pallas_src>
import jax
import jax.numpy as jnp
from jax import lax
from jax.experimental import pallas as pl
from jax.experimental.pallas import tpu as pltpu
from jax.experimental.pallas import tpu_sc as plsc

_NC = 2
_NS = 16
_NW = _NC * _NS
_LANES = 16

_F = 26
_V = 100000
_D = 32
_B = 16384
_CH = 4096


def _body(xT_hbm, t3_hbm, outT_hbm, row_v, idx_v, out_v, sem_q0,
          sem_q1, sem_q2, sem_q3, sem_o0, sem_o1):
    sem_q = [sem_q0, sem_q1, sem_q2, sem_q3]
    w = lax.axis_index("s") * _NC + lax.axis_index("c")
    sem_o = [sem_o0, sem_o1]
    n_ch = _B // _CH

    zero16 = jnp.zeros((_LANES,), jnp.int32)

    def pair(i, prev_j):
        jd = _F * w + i
        j = jd // _D

        @pl.when(j != prev_j)
        def _():
            pltpu.sync_copy(xT_hbm.at[j], idx_v)
        qb = [0, 25088, 50176, 75264, _V]
        hq = [
            pltpu.async_copy(
                t3_hbm.at[pl.ds(jd, 1), pl.ds(qb[q], qb[q + 1] - qb[q])],
                row_v.at[:, pl.ds(qb[q], qb[q + 1] - qb[q])],
                sem_q[q],
            )
            for q in range(4)
        ]
        for h in hq:
            h.wait()
        stores = [None, None]
        for c in range(n_ch):
            @plsc.parallel_loop(0, _CH // _LANES, unroll=16)
            def gath(g):
                iv = idx_v[pl.ds(c * _CH + g * _LANES, _LANES)]
                out_v[c % 2, pl.ds(g * _LANES, _LANES)] = (
                    plsc.load_gather(row_v, [zero16, iv]))

            if stores[c % 2] is not None:
                stores[c % 2].wait()
            stores[c % 2] = pltpu.async_copy(
                out_v.at[c % 2],
                outT_hbm.at[jd, pl.ds(c * _CH, _CH)],
                sem_o[c % 2],
            )
        stores[(n_ch - 2) % 2].wait()
        stores[(n_ch - 1) % 2].wait()
        return j

    lax.fori_loop(0, _F, pair, jnp.int32(-1))


def kernel(x_cat, tables):
    B, F = x_cat.shape
    _, V, D = tables.shape
    xT = x_cat.T
    t3 = tables.transpose(0, 2, 1).reshape(F * D, V)

    k = pl.kernel(
        _body,
        out_type=jax.ShapeDtypeStruct((F * D, B), jnp.float32),
        mesh=plsc.VectorSubcoreMesh(core_axis_name="c", subcore_axis_name="s"),
        scratch_types=[
            pltpu.VMEM((1, V), jnp.float32),
            pltpu.VMEM((B,), jnp.int32),
            pltpu.VMEM((2, _CH), jnp.float32),
        ] + [pltpu.SemaphoreType.DMA] * 6,
        compiler_params=pltpu.CompilerParams(
            use_tc_tiling_on_sc=True, needs_layout_passes=False
        ),
    )
    outT = k(xT, t3)
    return outT.T

# --- scband reference (transcript-rebuilt; emitter-appended) ---
"""Pipeline reference for scband-embedding-block-2585570312698 (READ-ONLY COPY).

The authoritative reference and input builder live on the scoring server;
editing this copy changes nothing except your own understanding.
"""

import jax, jax.numpy as jnp
import numpy as np

NUM_FIELDS = 26
VOCAB = 100000
EMB_DIM = 32
BATCH = 16384


def setup_inputs(seed: int = 0) -> dict:
    key = jax.random.key(seed)
    k_idx, k_tab = jax.random.split(key)
    x_cat = jax.random.randint(k_idx, (BATCH, NUM_FIELDS), 0, VOCAB, dtype=jnp.int32)
    # One embedding table per categorical field, stacked: [NUM_FIELDS, VOCAB, EMB_DIM]
    tables = jax.random.normal(k_tab, (NUM_FIELDS, VOCAB, EMB_DIM), dtype=jnp.float32) * 0.01
    return {"x_cat": x_cat, "tables": tables}


def reference(x_cat, tables):
    # Faithful translation of EmbeddingBlock.forward:
    # per-field embedding lookup (gather) followed by concat along feature dim.
    zs = [jnp.take(tables[j], x_cat[:, j], axis=0) for j in range(NUM_FIELDS)]
    return jnp.concatenate(zs, axis=1)

if __name__ == "__main__":
    import jax
    _d = setup_inputs()
    print(jax.jit(kernel)(*tuple(_d.values())))

</pallas_src>

<mosaic_0001>
#map = affine_map<(d0, d1) -> (0, 0)>
module attributes {stable_mosaic.version = 14 : i64} {
  func.func @_body(%arg0: i32, %arg1: i32, %arg2: memref<26x16384xi32, #tpu.memory_space<hbm>>, %arg3: memref<832x100000xf32, #tpu.memory_space<hbm>>, %arg4: memref<832x16384xf32, #tpu.memory_space<hbm>>, %arg5: memref<1x100000xf32, #tpu.memory_space<vmem>>, %arg6: memref<16384xi32, #tpu.memory_space<vmem>>, %arg7: memref<2x4096xf32, #tpu.memory_space<vmem>>, %arg8: memref<!tpu.dma_semaphore, #tpu.memory_space<semaphore_mem>>, %arg9: memref<!tpu.dma_semaphore, #tpu.memory_space<semaphore_mem>>, %arg10: memref<!tpu.dma_semaphore, #tpu.memory_space<semaphore_mem>>, %arg11: memref<!tpu.dma_semaphore, #tpu.memory_space<semaphore_mem>>, %arg12: memref<!tpu.dma_semaphore, #tpu.memory_space<semaphore_mem>>, %arg13: memref<!tpu.dma_semaphore, #tpu.memory_space<semaphore_mem>>) attributes {dimension_semantics = [#tpu.dimension_semantics<core_parallel>, #tpu.dimension_semantics<subcore_parallel>], iteration_bounds = array<i64: 2, 16>, scalar_prefetch = 0 : i64, scratch_operands = 9 : i64, tpu.core_type = #tpu.core_type<sc_vector_subcore>, window_params = [{transform_indices = #map}, {transform_indices = #map}, {transform_indices = #map}]} {
    %mul3A = arith.constant 2 : i32
    %mul3A_0 = arith.muli %arg1, %mul3A : i32
    %add3A = arith.addi %mul3A_0, %arg0 : i32
    %broadcast_in_dim3A = arith.constant 0 : i32
    %broadcast_in_dim3A_1 = vector.broadcast %broadcast_in_dim3A : i32 to vector<16xi32>
    %scan3A = arith.constant -1 : i32
    %scan3A_2 = arith.constant 0 : i32
    %scan3A_3 = arith.constant 26 : i32
    %scan3A_4 = arith.addi %scan3A_2, %scan3A_3 : i32
    %scan3A_5 = arith.constant 1 : i32
    %scan3A_6 = scf.for %scan3A_8 = %scan3A_2 to %scan3A_4 step %scan3A_5 iter_args(%scan3A_9 = %scan3A) -> (i32)  : i32 {
      %mul3A_10 = arith.constant 26 : i32
      %mul3A_11 = arith.muli %mul3A_10, %add3A : i32
      %add3A_12 = arith.addi %mul3A_11, %scan3A_8 : i32
      %jit3A = arith.constant 32 : i32
      %div3A = arith.divsi %add3A_12, %jit3A : i32
      %sign3A = arith.constant 0 : i32
      %sign3A_13 = arith.cmpi sgt, %add3A_12, %sign3A : i32
      %sign3A_14 = arith.extui %sign3A_13 : i1 to i32
      %sign3A_15 = arith.constant 0 : i32
      %sign3A_16 = arith.cmpi slt, %add3A_12, %sign3A_15 : i32
      %sign3A_17 = arith.extui %sign3A_16 : i1 to i32
      %sign3A_18 = arith.subi %sign3A_14, %sign3A_17 : i32
      %sign3A_19 = arith.constant 0 : i32
      %sign3A_20 = arith.cmpi sgt, %jit3A, %sign3A_19 : i32
      %sign3A_21 = arith.extui %sign3A_20 : i1 to i32
      %sign3A_22 = arith.constant 0 : i32
      %sign3A_23 = arith.cmpi slt, %jit3A, %sign3A_22 : i32
      %sign3A_24 = arith.extui %sign3A_23 : i1 to i32
      %sign3A_25 = arith.subi %sign3A_21, %sign3A_24 : i32
      %ne3A = arith.cmpi ne, %sign3A_18, %sign3A_25 : i32
      %rem3A = arith.remsi %add3A_12, %jit3A : i32
      %ne3A_26 = arith.constant 0 : i32
      %ne3A_27 = arith.cmpi ne, %rem3A, %ne3A_26 : i32
      %and3A = arith.andi %ne3A, %ne3A_27 : i1
      %sub3A = arith.constant 1 : i32
      %sub3A_28 = arith.subi %div3A, %sub3A : i32
      %select_n3A = arith.select %and3A, %sub3A_28, %div3A : i32
      %ne3A_29 = arith.cmpi ne, %select_n3A, %scan3A_9 : i32
      %convert_element_type3A = arith.extui %ne3A_29 : i1 to i32
      %cond3A = arith.constant 0 : i32
      %cond3A_30 = arith.cmpi ne, %convert_element_type3A, %cond3A : i32
      scf.if %cond3A_30 {
        "tpu.region"() ({
          %run_scoped3A = tpu.sem_alloc : memref<!tpu.dma_semaphore, #tpu.memory_space<semaphore_mem>>
          %dma_start3A_224 = arith.constant 0 : i32
          %dma_start3A_225 = tpu.memref_slice %arg2[%select_n3A, %dma_start3A_224] : memref<26x16384xi32, #tpu.memory_space<hbm>> -> memref<1x16384xi32, #tpu.memory_space<hbm>>
          %dma_start3A_226 = tpu.memref_squeeze %dma_start3A_225 : memref<1x16384xi32, #tpu.memory_space<hbm>> -> memref<16384xi32, #tpu.memory_space<hbm>>
          %dma_start3A_227 = arith.constant 0 : i32
          %dma_start3A_228 = tpu.memref_slice %arg2[%select_n3A, %dma_start3A_227] : memref<26x16384xi32, #tpu.memory_space<hbm>> -> memref<1x16384xi32, #tpu.memory_space<hbm>>
          %dma_start3A_229 = tpu.memref_squeeze %dma_start3A_228 : memref<1x16384xi32, #tpu.memory_space<hbm>> -> memref<16384xi32, #tpu.memory_space<hbm>>
          tpu.enqueue_dma source(%dma_start3A_229 : memref<16384xi32, #tpu.memory_space<hbm>>) target(%arg6 : memref<16384xi32, #tpu.memory_space<vmem>>) target_semaphore(%run_scoped3A : memref<!tpu.dma_semaphore, #tpu.memory_space<semaphore_mem>>)
          %dma_wait3A_230 = arith.constant 0 : i32
          %dma_wait3A_231 = tpu.memref_slice %arg2[%select_n3A, %dma_wait3A_230] : memref<26x16384xi32, #tpu.memory_space<hbm>> -> memref<1x16384xi32, #tpu.memory_space<hbm>>
          %dma_wait3A_232 = tpu.memref_squeeze %dma_wait3A_231 : memref<1x16384xi32, #tpu.memory_space<hbm>> -> memref<16384xi32, #tpu.memory_space<hbm>>
          %dma_wait3A_233 = arith.constant 0 : i32
          %dma_wait3A_234 = tpu.memref_slice %arg2[%select_n3A, %dma_wait3A_233] : memref<26x16384xi32, #tpu.memory_space<hbm>> -> memref<1x16384xi32, #tpu.memory_space<hbm>>
          %dma_wait3A_235 = tpu.memref_squeeze %dma_wait3A_234 : memref<1x16384xi32, #tpu.memory_space<hbm>> -> memref<16384xi32, #tpu.memory_space<hbm>>
          tpu.wait_dma2 semaphore(%run_scoped3A : memref<!tpu.dma_semaphore, #tpu.memory_space<semaphore_mem>>) src(%dma_wait3A_235 : memref<16384xi32, #tpu.memory_space<hbm>>) dst(%arg6 : memref<16384xi32, #tpu.memory_space<vmem>>)
          tpu.yield
        }) : () -> ()
      } else {
      }
      %dma_start3A = arith.constant 0 : i32
      %dma_start3A_31 = arith.constant 0 : i32
      %dma_start3A_32 = tpu.memref_slice %arg5[%dma_start3A, %dma_start3A_31] : memref<1x100000xf32, #tpu.memory_space<vmem>> -> memref<1x25088xf32, #tpu.memory_space<vmem>>
      %dma_start3A_33 = arith.constant 0 : i32
      %dma_start3A_34 = tpu.memref_slice %arg3[%add3A_12, %dma_start3A_33] : memref<832x100000xf32, #tpu.memory_space<hbm>> -> memref<1x25088xf32, #tpu.memory_space<hbm>>
      %dma_start3A_35 = arith.constant 0 : i32
      %dma_start3A_36 = arith.constant 0 : i32
      %dma_start3A_37 = tpu.memref_slice %arg5[%dma_start3A_35, %dma_start3A_36] : memref<1x100000xf32, #tpu.memory_space<vmem>> -> memref<1x25088xf32, #tpu.memory_space<vmem>>
      %dma_start3A_38 = arith.constant 0 : i32
      %dma_start3A_39 = tpu.memref_slice %arg3[%add3A_12, %dma_start3A_38] : memref<832x100000xf32, #tpu.memory_space<hbm>> -> memref<1x25088xf32, #tpu.memory_space<hbm>>
      tpu.enqueue_dma source(%dma_start3A_39 : memref<1x25088xf32, #tpu.memory_space<hbm>>) target(%dma_start3A_37 : memref<1x25088xf32, #tpu.memory_space<vmem>>) target_semaphore(%arg8 : memref<!tpu.dma_semaphore, #tpu.memory_space<semaphore_mem>>)
      %dma_start3A_40 = arith.constant 0 : i32
      %dma_start3A_41 = arith.constant 25088 : i32
      %dma_start3A_42 = tpu.memref_slice %arg5[%dma_start3A_40, %dma_start3A_41] : memref<1x100000xf32, #tpu.memory_space<vmem>> -> memref<1x25088xf32, #tpu.memory_space<vmem>>
      %dma_start3A_43 = arith.constant 25088 : i32
      %dma_start3A_44 = tpu.memref_slice %arg3[%add3A_12, %dma_start3A_43] : memref<832x100000xf32, #tpu.memory_space<hbm>> -> memref<1x25088xf32, #tpu.memory_space<hbm>>
      %dma_start3A_45 = arith.constant 0 : i32
      %dma_start3A_46 = arith.constant 25088 : i32
      %dma_start3A_47 = tpu.memref_slice %arg5[%dma_start3A_45, %dma_start3A_46] : memref<1x100000xf32, #tpu.memory_space<vmem>> -> memref<1x25088xf32, #tpu.memory_space<vmem>>
      %dma_start3A_48 = arith.constant 25088 : i32
      %dma_start3A_49 = tpu.memref_slice %arg3[%add3A_12, %dma_start3A_48] : memref<832x100000xf32, #tpu.memory_space<hbm>> -> memref<1x25088xf32, #tpu.memory_space<hbm>>
      tpu.enqueue_dma source(%dma_start3A_49 : memref<1x25088xf32, #tpu.memory_space<hbm>>) target(%dma_start3A_47 : memref<1x25088xf32, #tpu.memory_space<vmem>>) target_semaphore(%arg9 : memref<!tpu.dma_semaphore, #tpu.memory_space<semaphore_mem>>)
      %dma_start3A_50 = arith.constant 0 : i32
      %dma_start3A_51 = arith.constant 50176 : i32
      %dma_start3A_52 = tpu.memref_slice %arg5[%dma_start3A_50, %dma_start3A_51] : memref<1x100000xf32, #tpu.memory_space<vmem>> -> memref<1x25088xf32, #tpu.memory_space<vmem>>
      %dma_start3A_53 = arith.constant 50176 : i32
      %dma_start3A_54 = tpu.memref_slice %arg3[%add3A_12, %dma_start3A_53] : memref<832x100000xf32, #tpu.memory_space<hbm>> -> memref<1x25088xf32, #tpu.memory_space<hbm>>
      %dma_start3A_55 = arith.constant 0 : i32
      %dma_start3A_56 = arith.constant 50176 : i32
      %dma_start3A_57 = tpu.memref_slice %arg5[%dma_start3A_55, %dma_start3A_56] : memref<1x100000xf32, #tpu.memory_space<vmem>> -> memref<1x25088xf32, #tpu.memory_space<vmem>>
      %dma_start3A_58 = arith.constant 50176 : i32
      %dma_start3A_59 = tpu.memref_slice %arg3[%add3A_12, %dma_start3A_58] : memref<832x100000xf32, #tpu.memory_space<hbm>> -> memref<1x25088xf32, #tpu.memory_space<hbm>>
      tpu.enqueue_dma source(%dma_start3A_59 : memref<1x25088xf32, #tpu.memory_space<hbm>>) target(%dma_start3A_57 : memref<1x25088xf32, #tpu.memory_space<vmem>>) target_semaphore(%arg10 : memref<!tpu.dma_semaphore, #tpu.memory_space<semaphore_mem>>)
      %dma_start3A_60 = arith.constant 0 : i32
      %dma_start3A_61 = arith.constant 75264 : i32
      %dma_start3A_62 = tpu.memref_slice %arg5[%dma_start3A_60, %dma_start3A_61] : memref<1x100000xf32, #tpu.memory_space<vmem>> -> memref<1x24736xf32, #tpu.memory_space<vmem>>
      %dma_start3A_63 = arith.constant 75264 : i32
      %dma_start3A_64 = tpu.memref_slice %arg3[%add3A_12, %dma_start3A_63] : memref<832x100000xf32, #tpu.memory_space<hbm>> -> memref<1x24736xf32, #tpu.memory_space<hbm>>
      %dma_start3A_65 = arith.constant 0 : i32
      %dma_start3A_66 = arith.constant 75264 : i32
      %dma_start3A_67 = tpu.memref_slice %arg5[%dma_start3A_65, %dma_start3A_66] : memref<1x100000xf32, #tpu.memory_space<vmem>> -> memref<1x24736xf32, #tpu.memory_space<vmem>>
      %dma_start3A_68 = arith.constant 75264 : i32
      %dma_start3A_69 = tpu.memref_slice %arg3[%add3A_12, %dma_start3A_68] : memref<832x100000xf32, #tpu.memory_space<hbm>> -> memref<1x24736xf32, #tpu.memory_space<hbm>>
      tpu.enqueue_dma source(%dma_start3A_69 : memref<1x24736xf32, #tpu.memory_space<hbm>>) target(%dma_start3A_67 : memref<1x24736xf32, #tpu.memory_space<vmem>>) target_semaphore(%arg11 : memref<!tpu.dma_semaphore, #tpu.memory_space<semaphore_mem>>)
      %dma_wait3A = arith.constant 0 : i32
      %dma_wait3A_70 = arith.constant 0 : i32
      %dma_wait3A_71 = tpu.memref_slice %arg5[%dma_wait3A, %dma_wait3A_70] : memref<1x100000xf32, #tpu.memory_space<vmem>> -> memref<1x25088xf32, #tpu.memory_space<vmem>>
      %dma_wait3A_72 = arith.constant 0 : i32
      %dma_wait3A_73 = tpu.memref_slice %arg3[%add3A_12, %dma_wait3A_72] : memref<832x100000xf32, #tpu.memory_space<hbm>> -> memref<1x25088xf32, #tpu.memory_space<hbm>>
      %dma_wait3A_74 = arith.constant 0 : i32
      %dma_wait3A_75 = arith.constant 0 : i32
      %dma_wait3A_76 = tpu.memref_slice %arg5[%dma_wait3A_74, %dma_wait3A_75] : memref<1x100000xf32, #tpu.memory_space<vmem>> -> memref<1x25088xf32, #tpu.memory_space<vmem>>
      %dma_wait3A_77 = arith.constant 0 : i32
      %dma_wait3A_78 = tpu.memref_slice %arg3[%add3A_12, %dma_wait3A_77] : memref<832x100000xf32, #tpu.memory_space<hbm>> -> memref<1x25088xf32, #tpu.memory_space<hbm>>
      tpu.wait_dma2 semaphore(%arg8 : memref<!tpu.dma_semaphore, #tpu.memory_space<semaphore_mem>>) src(%dma_wait3A_78 : memref<1x25088xf32, #tpu.memory_space<hbm>>) dst(%dma_wait3A_76 : memref<1x25088xf32, #tpu.memory_space<vmem>>)
      %dma_wait3A_79 = arith.constant 0 : i32
      %dma_wait3A_80 = arith.constant 25088 : i32
      %dma_wait3A_81 = tpu.memref_slice %arg5[%dma_wait3A_79, %dma_wait3A_80] : memref<1x100000xf32, #tpu.memory_space<vmem>> -> memref<1x25088xf32, #tpu.memory_space<vmem>>
      %dma_wait3A_82 = arith.constant 25088 : i32
      %dma_wait3A_83 = tpu.memref_slice %arg3[%add3A_12, %dma_wait3A_82] : memref<832x100000xf32, #tpu.memory_space<hbm>> -> memref<1x25088xf32, #tpu.memory_space<hbm>>
      %dma_wait3A_84 = arith.constant 0 : i32
      %dma_wait3A_85 = arith.constant 25088 : i32
      %dma_wait3A_86 = tpu.memref_slice %arg5[%dma_wait3A_84, %dma_wait3A_85] : memref<1x100000xf32, #tpu.memory_space<vmem>> -> memref<1x25088xf32, #tpu.memory_space<vmem>>
      %dma_wait3A_87 = arith.constant 25088 : i32
      %dma_wait3A_88 = tpu.memref_slice %arg3[%add3A_12, %dma_wait3A_87] : memref<832x100000xf32, #tpu.memory_space<hbm>> -> memref<1x25088xf32, #tpu.memory_space<hbm>>
      tpu.wait_dma2 semaphore(%arg9 : memref<!tpu.dma_semaphore, #tpu.memory_space<semaphore_mem>>) src(%dma_wait3A_88 : memref<1x25088xf32, #tpu.memory_space<hbm>>) dst(%dma_wait3A_86 : memref<1x25088xf32, #tpu.memory_space<vmem>>)
      %dma_wait3A_89 = arith.constant 0 : i32
      %dma_wait3A_90 = arith.constant 50176 : i32
      %dma_wait3A_91 = tpu.memref_slice %arg5[%dma_wait3A_89, %dma_wait3A_90] : memref<1x100000xf32, #tpu.memory_space<vmem>> -> memref<1x25088xf32, #tpu.memory_space<vmem>>
      %dma_wait3A_92 = arith.constant 50176 : i32
      %dma_wait3A_93 = tpu.memref_slice %arg3[%add3A_12, %dma_wait3A_92] : memref<832x100000xf32, #tpu.memory_space<hbm>> -> memref<1x25088xf32, #tpu.memory_space<hbm>>
      %dma_wait3A_94 = arith.constant 0 : i32
      %dma_wait3A_95 = arith.constant 50176 : i32
      %dma_wait3A_96 = tpu.memref_slice %arg5[%dma_wait3A_94, %dma_wait3A_95] : memref<1x100000xf32, #tpu.memory_space<vmem>> -> memref<1x25088xf32, #tpu.memory_space<vmem>>
      %dma_wait3A_97 = arith.constant 50176 : i32
      %dma_wait3A_98 = tpu.memref_slice %arg3[%add3A_12, %dma_wait3A_97] : memref<832x100000xf32, #tpu.memory_space<hbm>> -> memref<1x25088xf32, #tpu.memory_space<hbm>>
      tpu.wait_dma2 semaphore(%arg10 : memref<!tpu.dma_semaphore, #tpu.memory_space<semaphore_mem>>) src(%dma_wait3A_98 : memref<1x25088xf32, #tpu.memory_space<hbm>>) dst(%dma_wait3A_96 : memref<1x25088xf32, #tpu.memory_space<vmem>>)
      %dma_wait3A_99 = arith.constant 0 : i32
      %dma_wait3A_100 = arith.constant 75264 : i32
      %dma_wait3A_101 = tpu.memref_slice %arg5[%dma_wait3A_99, %dma_wait3A_100] : memref<1x100000xf32, #tpu.memory_space<vmem>> -> memref<1x24736xf32, #tpu.memory_space<vmem>>
      %dma_wait3A_102 = arith.constant 75264 : i32
      %dma_wait3A_103 = tpu.memref_slice %arg3[%add3A_12, %dma_wait3A_102] : memref<832x100000xf32, #tpu.memory_space<hbm>> -> memref<1x24736xf32, #tpu.memory_space<hbm>>
      %dma_wait3A_104 = arith.constant 0 : i32
      %dma_wait3A_105 = arith.constant 75264 : i32
      %dma_wait3A_106 = tpu.memref_slice %arg5[%dma_wait3A_104, %dma_wait3A_105] : memref<1x100000xf32, #tpu.memory_space<vmem>> -> memref<1x24736xf32, #tpu.memory_space<vmem>>
      %dma_wait3A_107 = arith.constant 75264 : i32
      %dma_wait3A_108 = tpu.memref_slice %arg3[%add3A_12, %dma_wait3A_107] : memref<832x100000xf32, #tpu.memory_space<hbm>> -> memref<1x24736xf32, #tpu.memory_space<hbm>>
      tpu.wait_dma2 semaphore(%arg11 : memref<!tpu.dma_semaphore, #tpu.memory_space<semaphore_mem>>) src(%dma_wait3A_108 : memref<1x24736xf32, #tpu.memory_space<hbm>>) dst(%dma_wait3A_106 : memref<1x24736xf32, #tpu.memory_space<vmem>>)
      %parallel_loop3A = arith.constant 0 : i32
      %parallel_loop3A_109 = arith.constant 256 : i32
      %parallel_loop3A_110 = arith.constant 1 : i32
      scf.for %parallel_loop3A_224 = %parallel_loop3A to %parallel_loop3A_109 step %parallel_loop3A_110  : i32 {
        %parallel_loop3A_225 = arith.constant 16 : i32
        %parallel_loop3A_226 = arith.muli %parallel_loop3A_224, %parallel_loop3A_225 : i32
        %parallel_loop3A_227 = arith.constant 0 : i32
        %parallel_loop3A_228 = arith.addi %parallel_loop3A_227, %parallel_loop3A_226 : i32
        %parallel_loop3A_229 = arith.index_cast %parallel_loop3A_228 : i32 to index
        %parallel_loop3A_230 = tpu.vector_load %arg6[%parallel_loop3A_229] {strides = array<i32>} : memref<16384xi32, #tpu.memory_space<vmem>>, vector<16xi32>,
        %parallel_loop3A_231 = tpu.vector_load_idx %arg5[%broadcast_in_dim3A_1, %parallel_loop3A_230] : memref<1x100000xf32, #tpu.memory_space<vmem>>[vector<16xi32>, vector<16xi32>], vector<16xf32>,
        %parallel_loop3A_232 = arith.constant 16 : i32
        %parallel_loop3A_233 = arith.muli %parallel_loop3A_224, %parallel_loop3A_232 : i32
        %parallel_loop3A_234 = arith.constant 0 : i32
        %parallel_loop3A_235 = arith.index_cast %parallel_loop3A_234 : i32 to index
        %parallel_loop3A_236 = arith.index_cast %parallel_loop3A_233 : i32 to index
        %parallel_loop3A_237 = tpu.vector_load %arg7[%parallel_loop3A_235, %parallel_loop3A_236] {strides = array<i32>} : memref<2x4096xf32, #tpu.memory_space<vmem>>, vector<16xf32>,
        tpu.vector_store %arg7[%parallel_loop3A_235, %parallel_loop3A_236], %parallel_loop3A_231 {strides = array<i32>} : memref<2x4096xf32, #tpu.memory_space<vmem>>, vector<16xf32>,
      } {sc.loop_unroll_factor = 16 : i64, sc.parallel_access}
      %dma_start3A_111 = arith.constant 0 : i32
      %dma_start3A_112 = arith.constant 0 : i32
      %dma_start3A_113 = tpu.memref_slice %arg7[%dma_start3A_111, %dma_start3A_112] : memref<2x4096xf32, #tpu.memory_space<vmem>> -> memref<1x4096xf32, #tpu.memory_space<vmem>>
      %dma_start3A_114 = tpu.memref_squeeze %dma_start3A_113 : memref<1x4096xf32, #tpu.memory_space<vmem>> -> memref<4096xf32, #tpu.memory_space<vmem>>
      %dma_start3A_115 = arith.constant 0 : i32
      %dma_start3A_116 = tpu.memref_slice %arg4[%add3A_12, %dma_start3A_115] : memref<832x16384xf32, #tpu.memory_space<hbm>> -> memref<1x4096xf32, #tpu.memory_space<hbm>>
      %dma_start3A_117 = tpu.memref_squeeze %dma_start3A_116 : memref<1x4096xf32, #tpu.memory_space<hbm>> -> memref<4096xf32, #tpu.memory_space<hbm>>
      %dma_start3A_118 = arith.constant 0 : i32
      %dma_start3A_119 = tpu.memref_slice %arg4[%add3A_12, %dma_start3A_118] : memref<832x16384xf32, #tpu.memory_space<hbm>> -> memref<1x4096xf32, #tpu.memory_space<hbm>>
      %dma_start3A_120 = tpu.memref_squeeze %dma_start3A_119 : memref<1x4096xf32, #tpu.memory_space<hbm>> -> memref<4096xf32, #tpu.memory_space<hbm>>
      %dma_start3A_121 = arith.constant 0 : i32
      %dma_start3A_122 = tpu.memref_slice %arg7[%dma_start3A_111, %dma_start3A_121] : memref<2x4096xf32, #tpu.memory_space<vmem>> -> memref<1x4096xf32, #tpu.memory_space<vmem>>
      %dma_start3A_123 = tpu.memref_squeeze %dma_start3A_122 : memref<1x4096xf32, #tpu.memory_space<vmem>> -> memref<4096xf32, #tpu.memory_space<vmem>>
      tpu.enqueue_dma source(%dma_start3A_123 : memref<4096xf32, #tpu.memory_space<vmem>>) target(%dma_start3A_120 : memref<4096xf32, #tpu.memory_space<hbm>>) target_semaphore(%arg12 : memref<!tpu.dma_semaphore, #tpu.memory_space<semaphore_mem>>)
      %parallel_loop3A_124 = arith.constant 0 : i32
      %parallel_loop3A_125 = arith.constant 256 : i32
      %parallel_loop3A_126 = arith.constant 1 : i32
      scf.for %parallel_loop3A_224 = %parallel_loop3A_124 to %parallel_loop3A_125 step %parallel_loop3A_126  : i32 {
        %parallel_loop3A_225 = arith.constant 16 : i32
        %parallel_loop3A_226 = arith.muli %parallel_loop3A_224, %parallel_loop3A_225 : i32
        %parallel_loop3A_227 = arith.constant 4096 : i32
        %parallel_loop3A_228 = arith.addi %parallel_loop3A_227, %parallel_loop3A_226 : i32
        %parallel_loop3A_229 = arith.index_cast %parallel_loop3A_228 : i32 to index
        %parallel_loop3A_230 = tpu.vector_load %arg6[%parallel_loop3A_229] {strides = array<i32>} : memref<16384xi32, #tpu.memory_space<vmem>>, vector<16xi32>,
        %parallel_loop3A_231 = tpu.vector_load_idx %arg5[%broadcast_in_dim3A_1, %parallel_loop3A_230] : memref<1x100000xf32, #tpu.memory_space<vmem>>[vector<16xi32>, vector<16xi32>], vector<16xf32>,
        %parallel_loop3A_232 = arith.constant 16 : i32
        %parallel_loop3A_233 = arith.muli %parallel_loop3A_224, %parallel_loop3A_232 : i32
        %parallel_loop3A_234 = arith.constant 1 : i32
        %parallel_loop3A_235 = arith.index_cast %parallel_loop3A_234 : i32 to index
        %parallel_loop3A_236 = arith.index_cast %parallel_loop3A_233 : i32 to index
        %parallel_loop3A_237 = tpu.vector_load %arg7[%parallel_loop3A_235, %parallel_loop3A_236] {strides = array<i32>} : memref<2x4096xf32, #tpu.memory_space<vmem>>, vector<16xf32>,
        tpu.vector_store %arg7[%parallel_loop3A_235, %parallel_loop3A_236], %parallel_loop3A_231 {strides = array<i32>} : memref<2x4096xf32, #tpu.memory_space<vmem>>, vector<16xf32>,
      } {sc.loop_unroll_factor = 16 : i64, sc.parallel_access}
      %dma_start3A_127 = arith.constant 1 : i32
      %dma_start3A_128 = arith.constant 0 : i32
      %dma_start3A_129 = tpu.memref_slice %arg7[%dma_start3A_127, %dma_start3A_128] : memref<2x4096xf32, #tpu.memory_space<vmem>> -> memref<1x4096xf32, #tpu.memory_space<vmem>>
      %dma_start3A_130 = tpu.memref_squeeze %dma_start3A_129 : memref<1x4096xf32, #tpu.memory_space<vmem>> -> memref<4096xf32, #tpu.memory_space<vmem>>
      %dma_start3A_131 = arith.constant 4096 : i32
      %dma_start3A_132 = tpu.memref_slice %arg4[%add3A_12, %dma_start3A_131] : memref<832x16384xf32, #tpu.memory_space<hbm>> -> memref<1x4096xf32, #tpu.memory_space<hbm>>
      %dma_start3A_133 = tpu.memref_squeeze %dma_start3A_132 : memref<1x4096xf32, #tpu.memory_space<hbm>> -> memref<4096xf32, #tpu.memory_space<hbm>>
      %dma_start3A_134 = arith.constant 4096 : i32
      %dma_start3A_135 = tpu.memref_slice %arg4[%add3A_12, %dma_start3A_134] : memref<832x16384xf32, #tpu.memory_space<hbm>> -> memref<1x4096xf32, #tpu.memory_space<hbm>>
      %dma_start3A_136 = tpu.memref_squeeze %dma_start3A_135 : memref<1x4096xf32, #tpu.memory_space<hbm>> -> memref<4096xf32, #tpu.memory_space<hbm>>
      %dma_start3A_137 = arith.constant 0 : i32
      %dma_start3A_138 = tpu.memref_slice %arg7[%dma_start3A_127, %dma_start3A_137] : memref<2x4096xf32, #tpu.memory_space<vmem>> -> memref<1x4096xf32, #tpu.memory_space<vmem>>
      %dma_start3A_139 = tpu.memref_squeeze %dma_start3A_138 : memref<1x4096xf32, #tpu.memory_space<vmem>> -> memref<4096xf32, #tpu.memory_space<vmem>>
      tpu.enqueue_dma source(%dma_start3A_139 : memref<4096xf32, #tpu.memory_space<vmem>>) target(%dma_start3A_136 : memref<4096xf32, #tpu.memory_space<hbm>>) target_semaphore(%arg13 : memref<!tpu.dma_semaphore, #tpu.memory_space<semaphore_mem>>)
      %parallel_loop3A_140 = arith.constant 0 : i32
      %parallel_loop3A_141 = arith.constant 256 : i32
      %parallel_loop3A_142 = arith.constant 1 : i32
      scf.for %parallel_loop3A_224 = %parallel_loop3A_140 to %parallel_loop3A_141 step %parallel_loop3A_142  : i32 {
        %parallel_loop3A_225 = arith.constant 16 : i32
        %parallel_loop3A_226 = arith.muli %parallel_loop3A_224, %parallel_loop3A_225 : i32
        %parallel_loop3A_227 = arith.constant 8192 : i32
        %parallel_loop3A_228 = arith.addi %parallel_loop3A_227, %parallel_loop3A_226 : i32
        %parallel_loop3A_229 = arith.index_cast %parallel_loop3A_228 : i32 to index
        %parallel_loop3A_230 = tpu.vector_load %arg6[%parallel_loop3A_229] {strides = array<i32>} : memref<16384xi32, #tpu.memory_space<vmem>>, vector<16xi32>,
        %parallel_loop3A_231 = tpu.vector_load_idx %arg5[%broadcast_in_dim3A_1, %parallel_loop3A_230] : memref<1x100000xf32, #tpu.memory_space<vmem>>[vector<16xi32>, vector<16xi32>], vector<16xf32>,
        %parallel_loop3A_232 = arith.constant 16 : i32
        %parallel_loop3A_233 = arith.muli %parallel_loop3A_224, %parallel_loop3A_232 : i32
        %parallel_loop3A_234 = arith.constant 0 : i32
        %parallel_loop3A_235 = arith.index_cast %parallel_loop3A_234 : i32 to index
        %parallel_loop3A_236 = arith.index_cast %parallel_loop3A_233 : i32 to index
        %parallel_loop3A_237 = tpu.vector_load %arg7[%parallel_loop3A_235, %parallel_loop3A_236] {strides = array<i32>} : memref<2x4096xf32, #tpu.memory_space<vmem>>, vector<16xf32>,
        tpu.vector_store %arg7[%parallel_loop3A_235, %parallel_loop3A_236], %parallel_loop3A_231 {strides = array<i32>} : memref<2x4096xf32, #tpu.memory_space<vmem>>, vector<16xf32>,
      } {sc.loop_unroll_factor = 16 : i64, sc.parallel_access}
      %dma_wait3A_143 = arith.constant 0 : i32
      %dma_wait3A_144 = arith.constant 0 : i32
      %dma_wait3A_145 = tpu.memref_slice %arg7[%dma_wait3A_143, %dma_wait3A_144] : memref<2x4096xf32, #tpu.memory_space<vmem>> -> memref<1x4096xf32, #tpu.memory_space<vmem>>
      %dma_wait3A_146 = tpu.memref_squeeze %dma_wait3A_145 : memref<1x4096xf32, #tpu.memory_space<vmem>> -> memref<4096xf32, #tpu.memory_space<vmem>>
      %dma_wait3A_147 = arith.constant 0 : i32
      %dma_wait3A_148 = tpu.memref_slice %arg4[%add3A_12, %dma_wait3A_147] : memref<832x16384xf32, #tpu.memory_space<hbm>> -> memref<1x4096xf32, #tpu.memory_space<hbm>>
      %dma_wait3A_149 = tpu.memref_squeeze %dma_wait3A_148 : memref<1x4096xf32, #tpu.memory_space<hbm>> -> memref<4096xf32, #tpu.memory_space<hbm>>
      %dma_wait3A_150 = arith.constant 0 : i32
      %dma_wait3A_151 = tpu.memref_slice %arg4[%add3A_12, %dma_wait3A_150] : memref<832x16384xf32, #tpu.memory_space<hbm>> -> memref<1x4096xf32, #tpu.memory_space<hbm>>
      %dma_wait3A_152 = tpu.memref_squeeze %dma_wait3A_151 : memref<1x4096xf32, #tpu.memory_space<hbm>> -> memref<4096xf32, #tpu.memory_space<hbm>>
      %dma_wait3A_153 = arith.constant 0 : i32
      %dma_wait3A_154 = tpu.memref_slice %arg7[%dma_wait3A_143, %dma_wait3A_153] : memref<2x4096xf32, #tpu.memory_space<vmem>> -> memref<1x4096xf32, #tpu.memory_space<vmem>>
      %dma_wait3A_155 = tpu.memref_squeeze %dma_wait3A_154 : memref<1x4096xf32, #tpu.memory_space<vmem>> -> memref<4096xf32, #tpu.memory_space<vmem>>
      tpu.wait_dma2 semaphore(%arg12 : memref<!tpu.dma_semaphore, #tpu.memory_space<semaphore_mem>>) src(%dma_wait3A_155 : memref<4096xf32, #tpu.memory_space<vmem>>) dst(%dma_wait3A_152 : memref<4096xf32, #tpu.memory_space<hbm>>)
      %dma_start3A_156 = arith.constant 0 : i32
      %dma_start3A_157 = arith.constant 0 : i32
      %dma_start3A_158 = tpu.memref_slice %arg7[%dma_start3A_156, %dma_start3A_157] : memref<2x4096xf32, #tpu.memory_space<vmem>> -> memref<1x4096xf32, #tpu.memory_space<vmem>>
      %dma_start3A_159 = tpu.memref_squeeze %dma_start3A_158 : memref<1x4096xf32, #tpu.memory_space<vmem>> -> memref<4096xf32, #tpu.memory_space<vmem>>
      %dma_start3A_160 = arith.constant 8192 : i32
      %dma_start3A_161 = tpu.memref_slice %arg4[%add3A_12, %dma_start3A_160] : memref<832x16384xf32, #tpu.memory_space<hbm>> -> memref<1x4096xf32, #tpu.memory_space<hbm>>
      %dma_start3A_162 = tpu.memref_squeeze %dma_start3A_161 : memref<1x4096xf32, #tpu.memory_space<hbm>> -> memref<4096xf32, #tpu.memory_space<hbm>>
      %dma_start3A_163 = arith.constant 8192 : i32
      %dma_start3A_164 = tpu.memref_slice %arg4[%add3A_12, %dma_start3A_163] : memref<832x16384xf32, #tpu.memory_space<hbm>> -> memref<1x4096xf32, #tpu.memory_space<hbm>>
      %dma_start3A_165 = tpu.memref_squeeze %dma_start3A_164 : memref<1x4096xf32, #tpu.memory_space<hbm>> -> memref<4096xf32, #tpu.memory_space<hbm>>
      %dma_start3A_166 = arith.constant 0 : i32
      %dma_start3A_167 = tpu.memref_slice %arg7[%dma_start3A_156, %dma_start3A_166] : memref<2x4096xf32, #tpu.memory_space<vmem>> -> memref<1x4096xf32, #tpu.memory_space<vmem>>
      %dma_start3A_168 = tpu.memref_squeeze %dma_start3A_167 : memref<1x4096xf32, #tpu.memory_space<vmem>> -> memref<4096xf32, #tpu.memory_space<vmem>>
      tpu.enqueue_dma source(%dma_start3A_168 : memref<4096xf32, #tpu.memory_space<vmem>>) target(%dma_start3A_165 : memref<4096xf32, #tpu.memory_space<hbm>>) target_semaphore(%arg12 : memref<!tpu.dma_semaphore, #tpu.memory_space<semaphore_mem>>)
      %parallel_loop3A_169 = arith.constant 0 : i32
      %parallel_loop3A_170 = arith.constant 256 : i32
      %parallel_loop3A_171 = arith.constant 1 : i32
      scf.for %parallel_loop3A_224 = %parallel_loop3A_169 to %parallel_loop3A_170 step %parallel_loop3A_171  : i32 {
        %parallel_loop3A_225 = arith.constant 16 : i32
        %parallel_loop3A_226 = arith.muli %parallel_loop3A_224, %parallel_loop3A_225 : i32
        %parallel_loop3A_227 = arith.constant 12288 : i32
        %parallel_loop3A_228 = arith.addi %parallel_loop3A_227, %parallel_loop3A_226 : i32
        %parallel_loop3A_229 = arith.index_cast %parallel_loop3A_228 : i32 to index
        %parallel_loop3A_230 = tpu.vector_load %arg6[%parallel_loop3A_229] {strides = array<i32>} : memref<16384xi32, #tpu.memory_space<vmem>>, vector<16xi32>,
        %parallel_loop3A_231 = tpu.vector_load_idx %arg5[%broadcast_in_dim3A_1, %parallel_loop3A_230] : memref<1x100000xf32, #tpu.memory_space<vmem>>[vector<16xi32>, vector<16xi32>], vector<16xf32>,
        %parallel_loop3A_232 = arith.constant 16 : i32
        %parallel_loop3A_233 = arith.muli %parallel_loop3A_224, %parallel_loop3A_232 : i32
        %parallel_loop3A_234 = arith.constant 1 : i32
        %parallel_loop3A_235 = arith.index_cast %parallel_loop3A_234 : i32 to index
        %parallel_loop3A_236 = arith.index_cast %parallel_loop3A_233 : i32 to index
        %parallel_loop3A_237 = tpu.vector_load %arg7[%parallel_loop3A_235, %parallel_loop3A_236] {strides = array<i32>} : memref<2x4096xf32, #tpu.memory_space<vmem>>, vector<16xf32>,
        tpu.vector_store %arg7[%parallel_loop3A_235, %parallel_loop3A_236], %parallel_loop3A_231 {strides = array<i32>} : memref<2x4096xf32, #tpu.memory_space<vmem>>, vector<16xf32>,
      } {sc.loop_unroll_factor = 16 : i64, sc.parallel_access}
      %dma_wait3A_172 = arith.constant 1 : i32
      %dma_wait3A_173 = arith.constant 0 : i32
      %dma_wait3A_174 = tpu.memref_slice %arg7[%dma_wait3A_172, %dma_wait3A_173] : memref<2x4096xf32, #tpu.memory_space<vmem>> -> memref<1x4096xf32, #tpu.memory_space<vmem>>
      %dma_wait3A_175 = tpu.memref_squeeze %dma_wait3A_174 : memref<1x4096xf32, #tpu.memory_space<vmem>> -> memref<4096xf32, #tpu.memory_space<vmem>>
      %dma_wait3A_176 = arith.constant 4096 : i32
      %dma_wait3A_177 = tpu.memref_slice %arg4[%add3A_12, %dma_wait3A_176] : memref<832x16384xf32, #tpu.memory_space<hbm>> -> memref<1x4096xf32, #tpu.memory_space<hbm>>
      %dma_wait3A_178 = tpu.memref_squeeze %dma_wait3A_177 : memref<1x4096xf32, #tpu.memory_space<hbm>> -> memref<4096xf32, #tpu.memory_space<hbm>>
      %dma_wait3A_179 = arith.constant 4096 : i32
      %dma_wait3A_180 = tpu.memref_slice %arg4[%add3A_12, %dma_wait3A_179] : memref<832x16384xf32, #tpu.memory_space<hbm>> -> memref<1x4096xf32, #tpu.memory_space<hbm>>
      %dma_wait3A_181 = tpu.memref_squeeze %dma_wait3A_180 : memref<1x4096xf32, #tpu.memory_space<hbm>> -> memref<4096xf32, #tpu.memory_space<hbm>>
      %dma_wait3A_182 = arith.constant 0 : i32
      %dma_wait3A_183 = tpu.memref_slice %arg7[%dma_wait3A_172, %dma_wait3A_182] : memref<2x4096xf32, #tpu.memory_space<vmem>> -> memref<1x4096xf32, #tpu.memory_space<vmem>>
      %dma_wait3A_184 = tpu.memref_squeeze %dma_wait3A_183 : memref<1x4096xf32, #tpu.memory_space<vmem>> -> memref<4096xf32, #tpu.memory_space<vmem>>
      tpu.wait_dma2 semaphore(%arg13 : memref<!tpu.dma_semaphore, #tpu.memory_space<semaphore_mem>>) src(%dma_wait3A_184 : memref<4096xf32, #tpu.memory_space<vmem>>) dst(%dma_wait3A_181 : memref<4096xf32, #tpu.memory_space<hbm>>)
      %dma_start3A_185 = arith.constant 1 : i32
      %dma_start3A_186 = arith.constant 0 : i32
      %dma_start3A_187 = tpu.memref_slice %arg7[%dma_start3A_185, %dma_start3A_186] : memref<2x4096xf32, #tpu.memory_space<vmem>> -> memref<1x4096xf32, #tpu.memory_space<vmem>>
      %dma_start3A_188 = tpu.memref_squeeze %dma_start3A_187 : memref<1x4096xf32, #tpu.memory_space<vmem>> -> memref<4096xf32, #tpu.memory_space<vmem>>
      %dma_start3A_189 = arith.constant 12288 : i32
      %dma_start3A_190 = tpu.memref_slice %arg4[%add3A_12, %dma_start3A_189] : memref<832x16384xf32, #tpu.memory_space<hbm>> -> memref<1x4096xf32, #tpu.memory_space<hbm>>
      %dma_start3A_191 = tpu.memref_squeeze %dma_start3A_190 : memref<1x4096xf32, #tpu.memory_space<hbm>> -> memref<4096xf32, #tpu.memory_space<hbm>>
      %dma_start3A_192 = arith.constant 12288 : i32
      %dma_start3A_193 = tpu.memref_slice %arg4[%add3A_12, %dma_start3A_192] : memref<832x16384xf32, #tpu.memory_space<hbm>> -> memref<1x4096xf32, #tpu.memory_space<hbm>>
      %dma_start3A_194 = tpu.memref_squeeze %dma_start3A_193 : memref<1x4096xf32, #tpu.memory_space<hbm>> -> memref<4096xf32, #tpu.memory_space<hbm>>
      %dma_start3A_195 = arith.constant 0 : i32
      %dma_start3A_196 = tpu.memref_slice %arg7[%dma_start3A_185, %dma_start3A_195] : memref<2x4096xf32, #tpu.memory_space<vmem>> -> memref<1x4096xf32, #tpu.memory_space<vmem>>
      %dma_start3A_197 = tpu.memref_squeeze %dma_start3A_196 : memref<1x4096xf32, #tpu.memory_space<vmem>> -> memref<4096xf32, #tpu.memory_space<vmem>>
      tpu.enqueue_dma source(%dma_start3A_197 : memref<4096xf32, #tpu.memory_space<vmem>>) target(%dma_start3A_194 : memref<4096xf32, #tpu.memory_space<hbm>>) target_semaphore(%arg13 : memref<!tpu.dma_semaphore, #tpu.memory_space<semaphore_mem>>)
      %dma_wait3A_198 = arith.constant 0 : i32
      %dma_wait3A_199 = arith.constant 0 : i32
      %dma_wait3A_200 = tpu.memref_slice %arg7[%dma_wait3A_198, %dma_wait3A_199] : memref<2x4096xf32, #tpu.memory_space<vmem>> -> memref<1x4096xf32, #tpu.memory_space<vmem>>
      %dma_wait3A_201 = tpu.memref_squeeze %dma_wait3A_200 : memref<1x4096xf32, #tpu.memory_space<vmem>> -> memref<4096xf32, #tpu.memory_space<vmem>>
      %dma_wait3A_202 = arith.constant 8192 : i32
      %dma_wait3A_203 = tpu.memref_slice %arg4[%add3A_12, %dma_wait3A_202] : memref<832x16384xf32, #tpu.memory_space<hbm>> -> memref<1x4096xf32, #tpu.memory_space<hbm>>
      %dma_wait3A_204 = tpu.memref_squeeze %dma_wait3A_203 : memref<1x4096xf32, #tpu.memory_space<hbm>> -> memref<4096xf32, #tpu.memory_space<hbm>>
      %dma_wait3A_205 = arith.constant 8192 : i32
      %dma_wait3A_206 = tpu.memref_slice %arg4[%add3A_12, %dma_wait3A_205] : memref<832x16384xf32, #tpu.memory_space<hbm>> -> memref<1x4096xf32, #tpu.memory_space<hbm>>
      %dma_wait3A_207 = tpu.memref_squeeze %dma_wait3A_206 : memref<1x4096xf32, #tpu.memory_space<hbm>> -> memref<4096xf32, #tpu.memory_space<hbm>>
      %dma_wait3A_208 = arith.constant 0 : i32
      %dma_wait3A_209 = tpu.memref_slice %arg7[%dma_wait3A_198, %dma_wait3A_208] : memref<2x4096xf32, #tpu.memory_space<vmem>> -> memref<1x4096xf32, #tpu.memory_space<vmem>>
      %dma_wait3A_210 = tpu.memref_squeeze %dma_wait3A_209 : memref<1x4096xf32, #tpu.memory_space<vmem>> -> memref<4096xf32, #tpu.memory_space<vmem>>
      tpu.wait_dma2 semaphore(%arg12 : memref<!tpu.dma_semaphore, #tpu.memory_space<semaphore_mem>>) src(%dma_wait3A_210 : memref<4096xf32, #tpu.memory_space<vmem>>) dst(%dma_wait3A_207 : memref<4096xf32, #tpu.memory_space<hbm>>)
      %dma_wait3A_211 = arith.constant 1 : i32
      %dma_wait3A_212 = arith.constant 0 : i32
      %dma_wait3A_213 = tpu.memref_slice %arg7[%dma_wait3A_211, %dma_wait3A_212] : memref<2x4096xf32, #tpu.memory_space<vmem>> -> memref<1x4096xf32, #tpu.memory_space<vmem>>
      %dma_wait3A_214 = tpu.memref_squeeze %dma_wait3A_213 : memref<1x4096xf32, #tpu.memory_space<vmem>> -> memref<4096xf32, #tpu.memory_space<vmem>>
      %dma_wait3A_215 = arith.constant 12288 : i32
      %dma_wait3A_216 = tpu.memref_slice %arg4[%add3A_12, %dma_wait3A_215] : memref<832x16384xf32, #tpu.memory_space<hbm>> -> memref<1x4096xf32, #tpu.memory_space<hbm>>
      %dma_wait3A_217 = tpu.memref_squeeze %dma_wait3A_216 : memref<1x4096xf32, #tpu.memory_space<hbm>> -> memref<4096xf32, #tpu.memory_space<hbm>>
      %dma_wait3A_218 = arith.constant 12288 : i32
      %dma_wait3A_219 = tpu.memref_slice %arg4[%add3A_12, %dma_wait3A_218] : memref<832x16384xf32, #tpu.memory_space<hbm>> -> memref<1x4096xf32, #tpu.memory_space<hbm>>
      %dma_wait3A_220 = tpu.memref_squeeze %dma_wait3A_219 : memref<1x4096xf32, #tpu.memory_space<hbm>> -> memref<4096xf32, #tpu.memory_space<hbm>>
      %dma_wait3A_221 = arith.constant 0 : i32
      %dma_wait3A_222 = tpu.memref_slice %arg7[%dma_wait3A_211, %dma_wait3A_221] : memref<2x4096xf32, #tpu.memory_space<vmem>> -> memref<1x4096xf32, #tpu.memory_space<vmem>>
      %dma_wait3A_223 = tpu.memref_squeeze %dma_wait3A_222 : memref<1x4096xf32, #tpu.memory_space<vmem>> -> memref<4096xf32, #tpu.memory_space<vmem>>
      tpu.wait_dma2 semaphore(%arg13 : memref<!tpu.dma_semaphore, #tpu.memory_space<semaphore_mem>>) src(%dma_wait3A_223 : memref<4096xf32, #tpu.memory_space<vmem>>) dst(%dma_wait3A_220 : memref<4096xf32, #tpu.memory_space<hbm>>)
      scf.yield %select_n3A : i32
    }
    %scan3A_7 = arith.constant 26 : i32
    return
  }
}

</mosaic_0001>

<sc_bundles>
// kernel: kernel.3.cloned.1.call-start
scs
__scs_entry_jumppad:
0x0: {  	(pc) =	sbr.rel $0x88, $3  }
0x1: {  	(tag) =	ssettag $0x0;
	lr =	simm.s32 $0x1  }
0x2: {  	[smem:$0x3F9F] =	sst lr;
	_ =	strace $0xD0000000  }
0x3: {  	_ = 	snop  }
0x4: {  	_ = 	snop  }
0x5: {  	_ = 	snop  }
0x6: {  	_ = 	snop  }
0x7: {  	_ = 	snop  }
__scs_overlays_trampoline_lowered:
0x8: {  	[smem:$0x3FAE] =	sst s0  }
0x9: {  	[smem:$0x3FAF] =	sst s1  }
0xa: {  	[smem:$0x3FB0] =	sst s2  }
0xb: {  	[smem:$0x3FB1] =	sst s3  }
0xc: {  	[smem:$0x3FB2] =	sst s4  }
0xd: {  	[smem:$0x3FB3] =	sst s5  }
0xe: {  	[smem:$0x3FB4] =	sst s6  }
0xf: {  	[smem:$0x3FB5] =	sst s7  }
0x10: {  	[smem:$0x3FB6] =	sst s8  }
0x11: {  	[smem:$0x3FB7] =	sst s9;
	s0 =	simm.s32 @!p0 $0x0  }
0x12: {  	s1 =	sld [smem:$0x3F9D];
	s0 =	simm.s32 @p0 $0x1  }
0x13: {  	[smem:$0x3FB8] =	sst s0;
	s0 =	simm.s32 @!p1 $0x0  }
0x14: {  	s2 =	sld [smem:$0x3F9C];
	s0 =	simm.s32 @p1 $0x1  }
0x15: {  	[smem:$0x3FB9] =	sst s0;
	s0 =	simm.s32 @!p2 $0x0  }
0x16: {  	s3 =	sld [smem:$0x3FDB];
	s0 =	simm.s32 @p2 $0x1  }
0x17: {  	s4 =	simm.s32 $0x1BF5;
	[smem:$0x3FBB] =	sst s0  }
0x18: {  	s0 =	sld [smem:$0x3F9E];
	_ =	swait.ge [sflag:s4], $0x0  }
0x19: {  	s7 =	sld [smem:$0x3F9F]  }
0x1a: {  	s8 =	sadd.s32 $0xFFFFE003, lr  }
0x1b: {  	s9 =	sadd.s32 $0xFFFFFEF7, lr;
	s5 =	simm.s32 $0xFFFFFFFF;
	p2 =	slt.u32 s8, $0xFFFFF086  }
0x1c: {  	p1 =	slt.u32 s9, $0xF7A;
	s5 =	simm.s32 @!p2 $0x0  }
0x1d: {  	s5 =	simm.s32 @p1 $0x1;
	p0 =	seq.s32 s7, s2  }
0x1e: {  	s7 =	smul.u32 @!p0 $0xF7A, s2;
	p2 =	seq.s32 @!p0 s5, $0x0  }
0x1f: {  	s9 =	smul.u32 $0xF7A, s1;
	s8 =	simm.s32 @!p0 $0x1BF5;
	p2 =	por !p2, p0  }
0x20: {  	[sflag:s8] =	ssyncset.s32 @!p0 $0xFFFFF086;
	s6 =	sadd.s32 @!p0 s3, s7;
	s7 =	simm.s32 @!p0 $0x108  }
0x21: {  	s3 =	sadd.s32 s3, s9;
	s6 =	sadd.s32 @!p0 $0x88, s6;
	s7 =	simm.s32 @p2 $0x1082  }
0x22: {  	[simem:s7], [sflag:s8] =	dma.local @!p0 [hbm:s6], $0xF7A  }
0x23: {  	s9 =	sor.u32 $0xD0000000, s2;
	s6 =	simm.s32 $0x108;
	_ =	swait.ge @!p0 [sflag:s8], $0x0  }
0x24: {  	s3 =	sadd.s32 $0x88, s3;
	s6 =	simm.s32 @!p1 $0x1082;
	[sflag:s4] =	ssyncset.s32 $0xFFFFF086  }
0x25: {  	[simem:s6], [sflag:s4] =	dma.local [hbm:s3], $0xF7A  }
0x26: {  	[smem:$0x3F9F] =	sst s1;
	(tag) =	ssettag s2;
	_ =	strace s9  }
0x27: {  	s1 =	sld [smem:$0x3FAF]  }
0x28: {  	s2 =	sld [smem:$0x3FB0]  }
0x29: {  	s4 =	sld [smem:$0x3FB2]  }
0x2a: {  	p0 =	seq.s32 s5, $0x0;
	s5 =	sld [smem:$0x3FB3]  }
0x2b: {  	s6 =	sld [smem:$0x3FB4]  }
0x2c: {  	s7 =	sld [smem:$0x3FB5]  }
0x2d: {  	s3 =	simm.s32 $0x108;
	s8 =	sld [smem:$0x3FB6]  }
0x2e: {  	s3 =	simm.s32 @!p0 $0x1082;
	s9 =	sld [smem:$0x3FB7]  }
0x2f: {  	lr =	sadd.s32 s0, s3;
	s0 =	sld [smem:$0x3FAE]  }
0x30: {  	s3 =	sld [smem:$0x3FB1]  }
0x31: {  	[smem:$0x3FBA] =	sst s10  }
0x32: {  	s10 =	sld [smem:$0x3FB8];
	_ =	sdelay $0x3  }
0x33: {  	p0 =	seq.s32 s10, $0x1;
	s10 =	sld [smem:$0x3FBA];
	_ =	sdelay $0x3  }
0x34: {  	[smem:$0x3FBA] =	sst s10  }
0x35: {  	s10 =	sld [smem:$0x3FB9];
	_ =	sdelay $0x3  }
0x36: {  	p1 =	seq.s32 s10, $0x1;
	s10 =	sld [smem:$0x3FBA];
	_ =	sdelay $0x3  }
0x37: {  	[smem:$0x3FBA] =	sst s10  }
0x38: {  	s10 =	sld [smem:$0x3FBB]  }
0x39: {  	_ = 	snop;
	(pc) =	sbr.ind lr, $3  }
0x3a: {  	_ = 	snop  }
0x3b: {  	_ = 	snop  }
0x3c: {  	p2 =	seq.s32 s10, $0x1;
	s10 =	sld [smem:$0x3FBA]  }
0x3d: {  	_ =	shalt  }
0x3e: {  	_ =	shalt  }
0x3f: {  	_ =	shalt  }
0x40: {  	_ =	shalt  }
0x41: {  	_ =	shalt  }
0x42: {  	_ =	shalt  }
0x43: {  	_ =	shalt  }
0x44: {  	_ =	shalt  }
0x45: {  	_ =	shalt  }
0x46: {  	_ =	shalt  }
0x47: {  	_ =	shalt  }
0x48: {  	_ =	shalt  }
0x49: {  	_ =	shalt  }
0x4a: {  	_ =	shalt  }
0x4b: {  	_ =	shalt  }
0x4c: {  	_ =	shalt  }
0x4d: {  	_ =	shalt  }
0x4e: {  	_ =	shalt  }
0x4f: {  	_ =	shalt  }
0x50: {  	_ =	shalt  }
0x51: {  	_ =	shalt  }
0x52: {  	_ =	shalt  }
0x53: {  	_ =	shalt  }
0x54: {  	_ =	shalt  }
0x55: {  	_ =	shalt  }
0x56: {  	_ =	shalt  }
0x57: {  	_ =	shalt  }
0x58: {  	_ =	shalt  }
0x59: {  	_ =	shalt  }
0x5a: {  	_ =	shalt  }
0x5b: {  	_ =	shalt  }
0x5c: {  	_ =	shalt  }
0x5d: {  	_ =	shalt  }
0x5e: {  	_ =	shalt  }
0x5f: {  	_ =	shalt  }
0x60: {  	_ =	shalt  }
0x61: {  	_ =	shalt  }
0x62: {  	_ =	shalt  }
0x63: {  	_ =	shalt  }
0x64: {  	_ =	shalt  }
0x65: {  	_ =	shalt  }
0x66: {  	_ =	shalt  }
0x67: {  	_ =	shalt  }
0x68: {  	_ =	shalt  }
0x69: {  	_ =	shalt  }
0x6a: {  	_ =	shalt  }
0x6b: {  	_ =	shalt  }
0x6c: {  	_ =	shalt  }
0x6d: {  	_ =	shalt  }
0x6e: {  	_ =	shalt  }
0x6f: {  	_ =	shalt  }
0x70: {  	_ =	shalt  }
0x71: {  	_ =	shalt  }
0x72: {  	_ =	shalt  }
0x73: {  	_ =	shalt  }
0x74: {  	_ =	shalt  }
0x75: {  	_ =	shalt  }
0x76: {  	_ =	shalt  }
0x77: {  	_ =	shalt  }
0x78: {  	_ =	shalt  }
0x79: {  	_ =	shalt  }
0x7a: {  	_ =	shalt  }
0x7b: {  	_ =	shalt  }
0x7c: {  	_ =	shalt  }
0x7d: {  	_ =	shalt  }
0x7e: {  	_ =	shalt  }
0x7f: {  	_ =	shalt  }
0x80: {  	_ =	shalt  }
0x81: {  	_ =	shalt  }
0x82: {  	_ =	shalt  }
0x83: {  	_ =	shalt  }
0x84: {  	_ =	shalt  }
0x85: {  	_ =	shalt  }
0x86: {  	_ =	shalt  }
0x87: {  	_ =	shalt  }
.Lfunc_end0:
.L_simem_size_0:
called_computation_lowered:
.L_overlay_start_0:
0x88: {  	s2 =	sld [smem:$0x3FD9]  }
0x89: {  	s3 =	sld [smem:$0x3FFE];
	_ =	sdelay $0x1  }
0x8a: {  	s1 =	srdreg.scid  }
0x8b: {  	s0 =	sand.u32 $0x1, s1  }
0x8c: {  	s18 =	sshll.u32 s0, $0xA;
	s2 =	sadd.s32 s3, s2  }
0x8d: {  	s2 =	sadd.s32 s2, s18  }
0x8e: {  	[smem:$0x3FC6] =	sst s2  }
0x8f: {  	_ = 	snop  }
0x90: {  	s2 =	sld [smem:$0x3FC9]  }
0x91: {  	s19 =	sld [smem:$0x3FC8]  }
0x92: {  	s4 =	sld [smem:$0x3FD0];
	(tm) =	ssettm $0x1  }
0x93: {  	s5 =	sld [smem:$0x3FFB];
	_ =	sdelay $0x3  }
0x94: {  	_ =	strace s5  }
0x95: {  	s5 =	sld [smem:$0x3FFC];
	_ =	sdelay $0x3  }
0x96: {  	_ =	strace s5  }
0x97: {  	s5 =	sld [smem:$0x3FFD];
	_ =	sdelay $0x3  }
0x98: {  	_ =	strace s5  }
0x99: {  	_ =	strace $0x8FFFFFFF  }
0x9a: {  	s20 =	sld [smem:$0x3FDB];
	_ =	sdelay $0x1  }
0x9b: {  	s6 =	simm.s32 $_scs_section_size  }
0x9c: {  	s7 =	simm.s32 $_size__tile_overlayer_lowered;
	s8 =	simm.s32 $_tile_overlayer_lowered  }
0x9d: {  	s23 =	simm.s32 $0x1BFF;
	s22 =	sshll.u32 s8, $0x1;
	s5 =	sadd.s32 s6, s20  }
0x9e: {  	s9 =	simm.s32 $0x0;
	s21 =	sshll.u32 s7, $0x1;
	s7 =	sadd.s32 s22, s5  }
0x9f: {  	[timem:s9], [sflag:s23] =	dma.local [hbm:s7], s21  }
0xa0: {  	_ =	swait.ge [sflag:s23], s21  }
0xa1: {  	s6 =	ssub.s32 $0x0, s21;
	[sflag:s23] =	ssyncset.done $0x0  }
0xa2: {  	[sflag:s23] =	ssyncadd.s32 s6;
	_ =	sdelay $0x1  }
0xa3: {  	s24 =	simm.s32 $0x1B8B  }
0xa4: {  	_ =	swait.ge [sflag:s24], $0x1  }
0xa5: {  	[sflag:s24] =	ssyncset.done $0x0  }
0xa6: {  	s25 =	simm.s32 $0x1B8E;
	[sflag:s24] =	ssyncadd.s32 $0xFFFFFFFF  }
0xa7: {  	s26 =	simm.s32 $execute0_lowered;
	[smem:$0x3FD2] =	sst s25  }
0xa8: {  	s6 =	sshll.u32 s26, $0x1;
	_ =	strace $0x80000046;
	[dreg:$0x1] =	wrdreg $0xFFFFFFFF  }
0xa9: {  	s28 =	simm.s32 $_size_execute0_lowered;
	s5 =	sadd.s32 s5, s6;
	[dreg:$0x0] =	wrdreg $0x0  }
0xaa: {  	s6 =	sshll.u32 s28, $0x1;
	[dreg:$0x2] =	wrdreg s5  }
0xab: {  	[dreg:$0x3] =	wrdreg s6  }
0xac: {  	[dreg:$0x4] =	wrdreg $0xC0  }
0xad: {  	_ =	task [dreg:s9], $0x5FFFF  }
0xae: {  	[dreg:$0x1] =	wrdreg $0xFFFFFFFF  }
0xaf: {  	[dreg:$0x0] =	wrdreg $0x60  }
0xb0: {  	[dreg:$0x2] =	wrdreg s2  }
0xb1: {  	[dreg:$0x3] =	wrdreg s19  }
0xb2: {  	[dreg:$0x4] =	wrdreg s4  }
0xb3: {  	[dreg:$0x5] =	wrdreg $0x9  }
0xb4: {  	_ =	task.clear_ibuf [dreg:s9], $0x6FFFF;
	_ =	strace $0x90000046  }
0xb5: {  	s29 =	simm.s32 $0x9;
	_ =	strace $0x80000048  }
0xb6: {  	_ =	swait.ge [sflag:s29], $0x1  }
0xb7: {  	[sflag:s29] =	ssyncadd.s32 $0xFFFFFFFF  }
0xb8: {  	_ =	strace $0x90000048  }
0xb9: {  	_ =	sfence  }
0xba: {  	s30 =	sld [smem:$0x0];
	_ =	sdelay $0x2  }
0xbb: {  	s31 =	sshll.u32 s1, $0xD;
	s1 =	sshrl.u32 s1, $0x2  }
0xbc: {  	s3 =	sand.u32 $0x4000, s31;
	s1 =	sadd.s32 s1, s30  }
0xbd: {  	s0 =	sor.u32 s3, s0;
	s1 =	sshll.u32 s1, $0x11  }
0xbe: {  	s0 =	sor.u32 s1, s0  }
0xbf: {  	s0 =	sadd.s32 $0x8F2B, s0  }
0xc0: {  	[sflag:s0] =	ssyncadd.remote.s32 $0x1  }
0xc1: {  	_ =	sfence.sel $0xFFFF  }
0xc2: {  	[dreg:$0x0] =	wrdreg $0xFFFFFFFF;
	(pc) =	sbr.abs _section_cstart, $3  }
0xc3: {  	[dreg:$0x1] =	wrdreg $0xFFFFFFFF  }
0xc4: {  	_ =	task.clear_ibuf [dreg:s9], $0x2FFFF;
	_ =	strace $0x9FFFFFFF  }
0xc5: {  	(tm) =	ssettm $0x7FFFFFFF  }
tec
execute0_lowered:
.L_overlay_start_1:
0x0: {  	(tag) =	ssettag $0x1  }
0x1: {  	s1 =	rddreg [dreg:$0x0]  }
0x2: {  	s2 =	rddreg [dreg:$0x1]  }
0x3: {  	s4 =	rddreg [dreg:$0x2]  }
0x4: {  	s0 =	rddreg [dreg:$0x3];
	s6 =	srdreg.scid  }
0x5: {  	s5 =	simm.s32 $0x0;
	s3 =	stileid.u32;
	s11 =	simm.s32 $0x80  }
0x6: {  	s12 =	simm.s32 $0x400;
	s13 =	simm.s32 $0x6200;
	s14 =	simm.s32 $0xC400  }
0x7: {  	s15 =	simm.s32 $0x12600;
	s16 =	simm.s32 $0x1;
	s17 =	simm.s32 $0x2  }
0x8: {  	s18 =	simm.s32 $0x3;
	s19 =	simm.s32 $0x4;
	s20 =	simm.s32 $0x5  }
0x9: {  	s21 =	simm.s32 $0x6;
	s22 =	simm.s32 $0x0;
	s6 =	sand.u32 $0x1, s6  }
0xa: {  	[smem:$0x7FF] =	sst s5;
	s8 =	sshll.u32 s3, $0x1;
	s7 =	ssub.s32 $0x2, s6  }
0xb: {  	_ =	strace $0x80000047;
	s6 =	sor.u32 s6, s8;
	s9 =	sshrl.u32 s7, $0x1  }
0xc: {  	s8 =	sadd.s32 $0x2000, s4;
	s6 =	smul.u32 $0x1A, s6;
	s10 =	ssub.s32 s7, s9  }
0xd: {  	s7 =	sadd.s32 $0x1000, s4;
	s9 =	sadd.s32 $0x3000, s4;
	s10 =	smax.u32 s10, $0x1  }
.LBB2_1:
0xe: {  	s24 =	simm.s32 $0xFFFFFFFF;
	s23 =	simm.s32 $0x0  }
.LBB2_2:
0xf: {  	s26 =	sadd.s32 s6, s23  }
0x10: {  	s25 =	smov.u32 s24;
	s24 =	sshrl.u32 s26, $0x5  }
0x11: {  	p0 =	seq.s32 s24, s25  }
0x12: {  	s25 =	sshll.u32 @!p0 s24, $0x4  }
0x13: {  	s28 =	sshll.u32 @!p0 s24, $0xB;
	s25 =	sand.u32 @!p0 $0x70, s25  }
0x14: {  	s29 =	simm.s32 @!p0 $0x400;
	s28 =	sand.u32 @!p0 $0xFFFC000, s28;
	s25 =	sadd.s32 @!p0 s1, s25  }
0x15: {  	s30 =	simm.s32 @!p0 $0x18700;
	s25 =	sadd.s32 @!p0 s28, s25;
	s28 =	simm.s32 @!p0 $0x80  }
0x16: {  	[tilespmem:s30], [sflag:$0x7] =	stream.strided.gather @!p0 [hbm4b:s25+s28], $0x4000, s29, s28, $0x38;
	[tilespmem:$0x1E700] =	vst v63  }
0x17: {  	s25 =	sshrl.u32 s26, $0x3  }
0x18: {  	s26 =	sshll.u32 s26, $0x7;
	s28 =	smul.u32 $0xC3800, s25  }
0x19: {  	s29 =	simm.s32 @!p0 $0x7;
	s26 =	sand.u32 $0x380, s26  }
0x1a: {  	_ =	swait.ge @!p0 [sflag:s29], $0x4000;
	s28 =	sor.u32 s26, s28  }
0x1b: {  	[sflag:s29] =	ssyncset.done @!p0 $0x0;
	s30 =	sshrl.u32 s28, $0x3  }
0x1c: {  	[sflag:s29] =	ssyncadd.s32 @!p0 $0xFFFFC000;
	s29 =	sadd.s32 s2, s30  }
0x1d: {  	[tilespmem:s5], [sflag:$0x1] =	stream.strided.gather [hbm4b:s29+s11], $0x6200, s12, s11, $0x38;
	[tilespmem:$0x1E700] =	vst v63  }
0x1e: {  	s29 =	sadd.s32 $0x31000, s28  }
0x1f: {  	s29 =	sshrl.u32 s29, $0x3  }
0x20: {  	s29 =	sadd.s32 s2, s29  }
0x21: {  	[tilespmem:s13], [sflag:$0x2] =	stream.strided.gather [hbm4b:s29+s11], $0x6200, s12, s11, $0x38;
	[tilespmem:$0x1E700] =	vst v63  }
0x22: {  	s29 =	sadd.s32 $0x62000, s28  }
0x23: {  	s28 =	sadd.s32 $0x93000, s28;
	s29 =	sshrl.u32 s29, $0x3  }
0x24: {  	s28 =	sshrl.u32 s28, $0x3;
	s29 =	sadd.s32 s2, s29  }
0x25: {  	[tilespmem:s14], [sflag:$0x3] =	stream.strided.gather [hbm4b:s29+s11], $0x6200, s12, s11, $0x38;
	[tilespmem:$0x1E700] =	vst v63  }
0x26: {  	s28 =	sadd.s32 s2, s28  }
0x27: {  	[tilespmem:s15], [sflag:$0x4] =	stream.strided.gather [hbm4b:s28+s11], $0x6100, s12, s11, $0x38;
	[tilespmem:$0x1E700] =	vst v63  }
0x28: {  	_ =	swait.ge [sflag:s16], $0x6200  }
0x29: {  	[sflag:s16] =	ssyncset.done $0x0  }
0x2a: {  	[sflag:s16] =	ssyncadd.s32 $0xFFFF9E00  }
0x2b: {  	_ =	swait.ge [sflag:s17], $0x6200  }
0x2c: {  	[sflag:s17] =	ssyncset.done $0x0  }
0x2d: {  	[sflag:s17] =	ssyncadd.s32 $0xFFFF9E00  }
0x2e: {  	_ =	swait.ge [sflag:s18], $0x6200  }
0x2f: {  	[sflag:s18] =	ssyncset.done $0x0  }
0x30: {  	[sflag:s18] =	ssyncadd.s32 $0xFFFF9E00  }
0x31: {  	_ =	swait.ge [sflag:s19], $0x6100  }
0x32: {  	[sflag:s19] =	ssyncset.done $0x0  }
0x33: {  	s28 =	simm.s32 $0x18780;
	[sflag:s19] =	ssyncadd.s32 $0xFFFF9F00  }
0x34: {  	v0 =	vld [tilespmem:s28+$0x70]  }
0x35: {  	v1 =	vld [tilespmem:s28+$0xFFFFFF90]  }
0x36: {  	v2 =	vld [tilespmem:s28+$0xFFFFFFA0]  }
0x37: {  	v3 =	vld [tilespmem:s28+$0xFFFFFFB0]  }
0x38: {  	v4 =	vld [tilespmem:s28+$0xFFFFFFC0]  }
0x39: {  	v5 =	vld [tilespmem:s28+$0xFFFFFFD0]  }
0x3a: {  	v6 =	vld [tilespmem:s28+$0xFFFFFFE0]  }
0x3b: {  	v7 =	vld [tilespmem:s28+$0xFFFFFFF0]  }
0x3c: {  	v8 =	vld [tilespmem:s28+$0x0]  }
0x3d: {  	v9 =	vld [tilespmem:s28+$0x10]  }
0x3e: {  	v10 =	vld [tilespmem:s28+$0x20]  }
0x3f: {  	v11 =	vld [tilespmem:s28+$0x30]  }
0x40: {  	v12 =	vld [tilespmem:s28+$0x40]  }
0x41: {  	v13 =	vld [tilespmem:s28+$0x50]  }
0x42: {  	v14 =	vld [tilespmem:s28+$0x60]  }
0x43: {  	v15 =	vld [tilespmem:s28+$0xFFFFFF80]  }
0x44: {  	v0 =	vld.idx.msk [tilespmem:v0+s5+$0x0], $0xffff  }
0x45: {  	v1 =	vld.idx.msk [tilespmem:v1+s5+$0x0], $0xffff  }
0x46: {  	v2 =	vld.idx.msk [tilespmem:v2+s5+$0x0], $0xffff  }
0x47: {  	v3 =	vld.idx.msk [tilespmem:v3+s5+$0x0], $0xffff  }
0x48: {  	v4 =	vld.idx.msk [tilespmem:v4+s5+$0x0], $0xffff  }
0x49: {  	s28 =	simm.s32 $0x1C800;
	v5 =	vld.idx.msk [tilespmem:v5+s5+$0x0], $0xffff  }
0x4a: {  	v6 =	vld.idx.msk [tilespmem:v6+s5+$0x0], $0xffff;
	[tilespmem:s28+$0x70] =	vst v0  }
0x4b: {  	v7 =	vld.idx.msk [tilespmem:v7+s5+$0x0], $0xffff;
	[tilespmem:s28+$0xFFFFFF10] =	vst v1  }
0x4c: {  	v15 =	vld.idx.msk [tilespmem:v15+s5+$0x0], $0xffff;
	[tilespmem:s28+$0xFFFFFF20] =	vst v2  }
0x4d: {  	v8 =	vld.idx.msk [tilespmem:v8+s5+$0x0], $0xffff;
	[tilespmem:s28+$0xFFFFFF30] =	vst v3  }
0x4e: {  	[tilespmem:s28+$0xFFFFFF40] =	vst v4;
	v0 =	vld.idx.msk [tilespmem:v9+s5+$0x0], $0xffff  }
0x4f: {  	[tilespmem:s28+$0xFFFFFF50] =	vst v5;
	v1 =	vld.idx.msk [tilespmem:v10+s5+$0x0], $0xffff  }
0x50: {  	[tilespmem:s28+$0xFFFFFF60] =	vst v6;
	v2 =	vld.idx.msk [tilespmem:v11+s5+$0x0], $0xffff  }
0x51: {  	[tilespmem:s28+$0xFFFFFF70] =	vst v7;
	v3 =	vld.idx.msk [tilespmem:v12+s5+$0x0], $0xffff  }
0x52: {  	[tilespmem:s28+$0xFFFFFF00] =	vst v15;
	v4 =	vld.idx.msk [tilespmem:v13+s5+$0x0], $0xffff  }
0x53: {  	s30 =	simm.s32 $0x18880;
	s29 =	simm.s32 $0x0;
	[tilespmem:s28+$0x0] =	vst v8;
	v5 =	vld.idx.msk [tilespmem:v14+s5+$0x0], $0xffff  }
.LBB2_3:
0x54: {  	v6 =	vld [tilespmem:s30+$0x70];
	s29 =	sadd.s32 $0x10, s29;
	[tilespmem:s28+$0x10] =	vst v0  }
0x55: {  	v0 =	vld [tilespmem:s30+$0xFFFFFF90];
	p0 =	slt.u32 s29, $0xF0;
	[tilespmem:s28+$0x20] =	vst v1  }
0x56: {  	v1 =	vld [tilespmem:s30+$0xFFFFFFA0];
	[tilespmem:s28+$0x30] =	vst v2  }
0x57: {  	v2 =	vld [tilespmem:s30+$0xFFFFFFB0];
	[tilespmem:s28+$0x40] =	vst v3  }
0x58: {  	v3 =	vld [tilespmem:s30+$0xFFFFFFC0];
	[tilespmem:s28+$0x50] =	vst v4  }
0x59: {  	v4 =	vld [tilespmem:s30+$0xFFFFFFD0];
	[tilespmem:s28+$0x60] =	vst v5  }
0x5a: {  	v5 =	vld [tilespmem:s30+$0xFFFFFFE0]  }
0x5b: {  	v7 =	vld [tilespmem:s30+$0xFFFFFFF0]  }
0x5c: {  	v6 =	vld.idx.msk [tilespmem:v6+s5+$0x0], $0xffff  }
0x5d: {  	v8 =	vld [tilespmem:s30+$0x0]  }
0x5e: {  	v9 =	vld [tilespmem:s30+$0x10]  }
0x5f: {  	v10 =	vld [tilespmem:s30+$0x20]  }
0x60: {  	v11 =	vld [tilespmem:s30+$0x30]  }
0x61: {  	s28 =	sadd.s32 $0x200, s28;
	v12 =	vld [tilespmem:s30+$0x40]  }
0x62: {  	v13 =	vld [tilespmem:s30+$0x50];
	[tilespmem:s28+$0x70] =	vst v6  }
0x63: {  	v6 =	vld [tilespmem:s30+$0x60]  }
0x64: {  	v14 =	vld [tilespmem:s30+$0xFFFFFF80]  }
0x65: {  	v0 =	vld.idx.msk [tilespmem:v0+s5+$0x0], $0xffff  }
0x66: {  	v1 =	vld.idx.msk [tilespmem:v1+s5+$0x0], $0xffff  }
0x67: {  	v2 =	vld.idx.msk [tilespmem:v2+s5+$0x0], $0xffff  }
0x68: {  	v3 =	vld.idx.msk [tilespmem:v3+s5+$0x0], $0xffff  }
0x69: {  	v4 =	vld.idx.msk [tilespmem:v4+s5+$0x0], $0xffff  }
0x6a: {  	v5 =	vld.idx.msk [tilespmem:v5+s5+$0x0], $0xffff  }
0x6b: {  	[tilespmem:s28+$0xFFFFFF10] =	vst v0;
	v7 =	vld.idx.msk [tilespmem:v7+s5+$0x0], $0xffff  }
0x6c: {  	v14 =	vld.idx.msk [tilespmem:v14+s5+$0x0], $0xffff;
	[tilespmem:s28+$0xFFFFFF20] =	vst v1  }
0x6d: {  	[tilespmem:s28+$0xFFFFFF30] =	vst v2;
	v8 =	vld.idx.msk [tilespmem:v8+s5+$0x0], $0xffff  }
0x6e: {  	[tilespmem:s28+$0xFFFFFF40] =	vst v3;
	v0 =	vld.idx.msk [tilespmem:v9+s5+$0x0], $0xffff  }
.Ltmp0:
0x6f: {  	[tilespmem:s28+$0xFFFFFF50] =	vst v4;
	v1 =	vld.idx.msk [tilespmem:v10+s5+$0x0], $0xffff;
	(pc) =	sbr.rel @p0 .LBB2_3-.Ltmp0, $4  }
0x70: {  	[tilespmem:s28+$0xFFFFFF60] =	vst v5;
	v2 =	vld.idx.msk [tilespmem:v11+s5+$0x0], $0xffff  }
0x71: {  	[tilespmem:s28+$0xFFFFFF70] =	vst v7;
	v3 =	vld.idx.msk [tilespmem:v12+s5+$0x0], $0xffff  }
0x72: {  	[tilespmem:s28+$0xFFFFFF00] =	vst v14;
	v4 =	vld.idx.msk [tilespmem:v13+s5+$0x0], $0xffff  }
0x73: {  	s30 =	sadd.s32 $0x100, s30;
	[tilespmem:s28+$0x0] =	vst v8;
	v5 =	vld.idx.msk [tilespmem:v6+s5+$0x0], $0xffff  }
0x74: {  	[tilespmem:s28+$0x10] =	vst v0  }
0x75: {  	[tilespmem:s28+$0x20] =	vst v1  }
0x76: {  	s25 =	sshll.u32 s25, $0x11;
	[tilespmem:s28+$0x30] =	vst v2  }
0x77: {  	s25 =	sor.u32 s26, s25;
	[tilespmem:s28+$0x40] =	vst v3  }
0x78: {  	s25 =	sshrl.u32 s25, $0x3;
	[tilespmem:s28+$0x50] =	vst v4  }
0x79: {  	s29 =	simm.s32 $0x1C700;
	s26 =	sadd.s32 s4, s25;
	[tilespmem:s28+$0x60] =	vst v5;
	s28 =	simm.s32 $0x0  }
.LBB2_5:
0x7a: {  	p0 =	sne.s32 s28, $0xF80  }
.Ltmp1:
0x7b: {  	_ = 	snop;
	(pc) =	sbr.rel @p0 .LBB2_5-.Ltmp1, $4  }
0x7c: {  	_ = 	snop  }
0x7d: {  	s30 =	sadd.s32 s28, s26  }
0x7e: {  	[hbm4b:s30+s5] =	stream.linear.scatter [tilespmem:s29], [sflag:$0x5], $0x80, $0x38;
	[tilespmem:$0x1E700] =	vst v63  }
0x7f: {  	s28 =	sadd.s32 $0x80, s28;
	s29 =	sadd.s32 $0x100, s29  }
0x80: {  	s26 =	simm.s32 $0x197F0  }
0x81: {  	v0 =	vld [tilespmem:s26+$0x0]  }
0x82: {  	v1 =	vld [tilespmem:s26+$0xFFFFFF20]  }
0x83: {  	v2 =	vld [tilespmem:s26+$0xFFFFFF30]  }
0x84: {  	v3 =	vld [tilespmem:s26+$0xFFFFFF40]  }
0x85: {  	v4 =	vld [tilespmem:s26+$0xFFFFFF50]  }
0x86: {  	v5 =	vld [tilespmem:s26+$0xFFFFFF60]  }
0x87: {  	v6 =	vld [tilespmem:s26+$0xFFFFFF70]  }
0x88: {  	v7 =	vld [tilespmem:s26+$0xFFFFFF80]  }
0x89: {  	v8 =	vld [tilespmem:s26+$0xFFFFFF90]  }
0x8a: {  	v9 =	vld [tilespmem:s26+$0xFFFFFFA0]  }
0x8b: {  	v10 =	vld [tilespmem:s26+$0xFFFFFFB0]  }
0x8c: {  	v11 =	vld [tilespmem:s26+$0xFFFFFFC0]  }
0x8d: {  	v12 =	vld [tilespmem:s26+$0xFFFFFFD0]  }
0x8e: {  	v13 =	vld [tilespmem:s26+$0xFFFFFFE0]  }
0x8f: {  	v14 =	vld [tilespmem:s26+$0xFFFFFFF0]  }
0x90: {  	v15 =	vld [tilespmem:s26+$0xFFFFFF10]  }
0x91: {  	v0 =	vld.idx.msk [tilespmem:v0+s5+$0x0], $0xffff  }
0x92: {  	v1 =	vld.idx.msk [tilespmem:v1+s5+$0x0], $0xffff  }
0x93: {  	v2 =	vld.idx.msk [tilespmem:v2+s5+$0x0], $0xffff  }
0x94: {  	v3 =	vld.idx.msk [tilespmem:v3+s5+$0x0], $0xffff  }
0x95: {  	v4 =	vld.idx.msk [tilespmem:v4+s5+$0x0], $0xffff  }
0x96: {  	s26 =	simm.s32 $0x1C880;
	v5 =	vld.idx.msk [tilespmem:v5+s5+$0x0], $0xffff  }
0x97: {  	v6 =	vld.idx.msk [tilespmem:v6+s5+$0x0], $0xffff;
	[tilespmem:s26+$0x70] =	vst v0  }
0x98: {  	v7 =	vld.idx.msk [tilespmem:v7+s5+$0x0], $0xffff;
	[tilespmem:s26+$0xFFFFFF10] =	vst v1  }
0x99: {  	v15 =	vld.idx.msk [tilespmem:v15+s5+$0x0], $0xffff;
	[tilespmem:s26+$0xFFFFFF20] =	vst v2  }
0x9a: {  	v8 =	vld.idx.msk [tilespmem:v8+s5+$0x0], $0xffff;
	[tilespmem:s26+$0xFFFFFF30] =	vst v3  }
0x9b: {  	[tilespmem:s26+$0xFFFFFF40] =	vst v4;
	v0 =	vld.idx.msk [tilespmem:v9+s5+$0x0], $0xffff  }
0x9c: {  	[tilespmem:s26+$0xFFFFFF50] =	vst v5;
	v1 =	vld.idx.msk [tilespmem:v10+s5+$0x0], $0xffff  }
0x9d: {  	[tilespmem:s26+$0xFFFFFF60] =	vst v6;
	v2 =	vld.idx.msk [tilespmem:v11+s5+$0x0], $0xffff  }
0x9e: {  	[tilespmem:s26+$0xFFFFFF70] =	vst v7;
	v3 =	vld.idx.msk [tilespmem:v12+s5+$0x0], $0xffff  }
0x9f: {  	[tilespmem:s26+$0xFFFFFF00] =	vst v15;
	v4 =	vld.idx.msk [tilespmem:v13+s5+$0x0], $0xffff  }
0xa0: {  	s28 =	simm.s32 $0x0;
	s29 =	simm.s32 $0x198F0;
	[tilespmem:s26+$0x0] =	vst v8;
	v5 =	vld.idx.msk [tilespmem:v14+s5+$0x0], $0xffff  }
.LBB2_7:
0xa1: {  	v6 =	vld [tilespmem:s29+$0x0];
	s28 =	sadd.s32 $0x10, s28;
	[tilespmem:s26+$0x10] =	vst v0  }
0xa2: {  	v0 =	vld [tilespmem:s29+$0xFFFFFF20];
	p0 =	slt.u32 s28, $0xF0;
	[tilespmem:s26+$0x20] =	vst v1  }
0xa3: {  	v1 =	vld [tilespmem:s29+$0xFFFFFF30];
	[tilespmem:s26+$0x30] =	vst v2  }
0xa4: {  	v2 =	vld [tilespmem:s29+$0xFFFFFF40];
	[tilespmem:s26+$0x40] =	vst v3  }
0xa5: {  	v3 =	vld [tilespmem:s29+$0xFFFFFF50];
	[tilespmem:s26+$0x50] =	vst v4  }
0xa6: {  	v4 =	vld [tilespmem:s29+$0xFFFFFF60];
	[tilespmem:s26+$0x60] =	vst v5  }
0xa7: {  	v5 =	vld [tilespmem:s29+$0xFFFFFF70]  }
0xa8: {  	v7 =	vld [tilespmem:s29+$0xFFFFFF80]  }
0xa9: {  	v6 =	vld.idx.msk [tilespmem:v6+s5+$0x0], $0xffff  }
0xaa: {  	v8 =	vld [tilespmem:s29+$0xFFFFFF90]  }
0xab: {  	v9 =	vld [tilespmem:s29+$0xFFFFFFA0]  }
0xac: {  	v10 =	vld [tilespmem:s29+$0xFFFFFFB0]  }
0xad: {  	v11 =	vld [tilespmem:s29+$0xFFFFFFC0]  }
0xae: {  	s26 =	sadd.s32 $0x200, s26;
	v12 =	vld [tilespmem:s29+$0xFFFFFFD0]  }
0xaf: {  	v13 =	vld [tilespmem:s29+$0xFFFFFFE0];
	[tilespmem:s26+$0x70] =	vst v6  }
0xb0: {  	v6 =	vld [tilespmem:s29+$0xFFFFFFF0]  }
0xb1: {  	v14 =	vld [tilespmem:s29+$0xFFFFFF10]  }
0xb2: {  	v0 =	vld.idx.msk [tilespmem:v0+s5+$0x0], $0xffff  }
0xb3: {  	v1 =	vld.idx.msk [tilespmem:v1+s5+$0x0], $0xffff  }
0xb4: {  	v2 =	vld.idx.msk [tilespmem:v2+s5+$0x0], $0xffff  }
0xb5: {  	v3 =	vld.idx.msk [tilespmem:v3+s5+$0x0], $0xffff  }
0xb6: {  	v4 =	vld.idx.msk [tilespmem:v4+s5+$0x0], $0xffff  }
0xb7: {  	v5 =	vld.idx.msk [tilespmem:v5+s5+$0x0], $0xffff  }
0xb8: {  	[tilespmem:s26+$0xFFFFFF10] =	vst v0;
	v7 =	vld.idx.msk [tilespmem:v7+s5+$0x0], $0xffff  }
0xb9: {  	v14 =	vld.idx.msk [tilespmem:v14+s5+$0x0], $0xffff;
	[tilespmem:s26+$0xFFFFFF20] =	vst v1  }
0xba: {  	[tilespmem:s26+$0xFFFFFF30] =	vst v2;
	v8 =	vld.idx.msk [tilespmem:v8+s5+$0x0], $0xffff  }
0xbb: {  	[tilespmem:s26+$0xFFFFFF40] =	vst v3;
	v0 =	vld.idx.msk [tilespmem:v9+s5+$0x0], $0xffff  }
.Ltmp2:
0xbc: {  	[tilespmem:s26+$0xFFFFFF50] =	vst v4;
	v1 =	vld.idx.msk [tilespmem:v10+s5+$0x0], $0xffff;
	(pc) =	sbr.rel @p0 .LBB2_7-.Ltmp2, $4  }
0xbd: {  	[tilespmem:s26+$0xFFFFFF60] =	vst v5;
	v2 =	vld.idx.msk [tilespmem:v11+s5+$0x0], $0xffff  }
0xbe: {  	[tilespmem:s26+$0xFFFFFF70] =	vst v7;
	v3 =	vld.idx.msk [tilespmem:v12+s5+$0x0], $0xffff  }
0xbf: {  	[tilespmem:s26+$0xFFFFFF00] =	vst v14;
	v4 =	vld.idx.msk [tilespmem:v13+s5+$0x0], $0xffff  }
0xc0: {  	s29 =	sadd.s32 $0x100, s29;
	[tilespmem:s26+$0x0] =	vst v8;
	v5 =	vld.idx.msk [tilespmem:v6+s5+$0x0], $0xffff  }
0xc1: {  	[tilespmem:s26+$0x10] =	vst v0  }
0xc2: {  	[tilespmem:s26+$0x20] =	vst v1  }
0xc3: {  	[tilespmem:s26+$0x30] =	vst v2  }
0xc4: {  	[tilespmem:s26+$0x40] =	vst v3  }
0xc5: {  	[tilespmem:s26+$0x50] =	vst v4  }
0xc6: {  	s28 =	simm.s32 $0x0;
	s29 =	simm.s32 $0x1C780;
	[tilespmem:s26+$0x60] =	vst v5;
	s26 =	sadd.s32 s25, s7  }
.LBB2_9:
0xc7: {  	p0 =	sne.s32 s28, $0xF80  }
.Ltmp3:
0xc8: {  	_ = 	snop;
	(pc) =	sbr.rel @p0 .LBB2_9-.Ltmp3, $4  }
0xc9: {  	_ = 	snop  }
0xca: {  	s30 =	sadd.s32 s28, s26  }
0xcb: {  	[hbm4b:s30+s5] =	stream.linear.scatter [tilespmem:s29], [sflag:$0x6], $0x80, $0x38;
	[tilespmem:$0x1E700] =	vst v63  }
0xcc: {  	s28 =	sadd.s32 $0x80, s28;
	s29 =	sadd.s32 $0x100, s29  }
0xcd: {  	s26 =	simm.s32 $0x1A7F0  }
0xce: {  	v0 =	vld [tilespmem:s26+$0x0]  }
0xcf: {  	v1 =	vld [tilespmem:s26+$0xFFFFFF20]  }
0xd0: {  	v2 =	vld [tilespmem:s26+$0xFFFFFF30]  }
0xd1: {  	v3 =	vld [tilespmem:s26+$0xFFFFFF40]  }
0xd2: {  	v4 =	vld [tilespmem:s26+$0xFFFFFF50]  }
0xd3: {  	v5 =	vld [tilespmem:s26+$0xFFFFFF60]  }
0xd4: {  	v6 =	vld [tilespmem:s26+$0xFFFFFF70]  }
0xd5: {  	v7 =	vld [tilespmem:s26+$0xFFFFFF80]  }
0xd6: {  	v8 =	vld [tilespmem:s26+$0xFFFFFF90]  }
0xd7: {  	v9 =	vld [tilespmem:s26+$0xFFFFFFA0]  }
0xd8: {  	v10 =	vld [tilespmem:s26+$0xFFFFFFB0]  }
0xd9: {  	v11 =	vld [tilespmem:s26+$0xFFFFFFC0]  }
0xda: {  	v12 =	vld [tilespmem:s26+$0xFFFFFFD0]  }
0xdb: {  	v13 =	vld [tilespmem:s26+$0xFFFFFFE0]  }
0xdc: {  	v14 =	vld [tilespmem:s26+$0xFFFFFFF0]  }
0xdd: {  	v15 =	vld [tilespmem:s26+$0xFFFFFF10]  }
0xde: {  	v0 =	vld.idx.msk [tilespmem:v0+s5+$0x0], $0xffff  }
0xdf: {  	v1 =	vld.idx.msk [tilespmem:v1+s5+$0x0], $0xffff  }
0xe0: {  	v2 =	vld.idx.msk [tilespmem:v2+s5+$0x0], $0xffff  }
0xe1: {  	v3 =	vld.idx.msk [tilespmem:v3+s5+$0x0], $0xffff  }
0xe2: {  	v4 =	vld.idx.msk [tilespmem:v4+s5+$0x0], $0xffff  }
0xe3: {  	s26 =	simm.s32 $0x1C800;
	v5 =	vld.idx.msk [tilespmem:v5+s5+$0x0], $0xffff  }
0xe4: {  	v6 =	vld.idx.msk [tilespmem:v6+s5+$0x0], $0xffff;
	[tilespmem:s26+$0x70] =	vst v0  }
0xe5: {  	v7 =	vld.idx.msk [tilespmem:v7+s5+$0x0], $0xffff;
	[tilespmem:s26+$0xFFFFFF10] =	vst v1  }
0xe6: {  	v15 =	vld.idx.msk [tilespmem:v15+s5+$0x0], $0xffff;
	[tilespmem:s26+$0xFFFFFF20] =	vst v2  }
0xe7: {  	v8 =	vld.idx.msk [tilespmem:v8+s5+$0x0], $0xffff;
	[tilespmem:s26+$0xFFFFFF30] =	vst v3  }
0xe8: {  	[tilespmem:s26+$0xFFFFFF40] =	vst v4;
	v0 =	vld.idx.msk [tilespmem:v9+s5+$0x0], $0xffff  }
0xe9: {  	[tilespmem:s26+$0xFFFFFF50] =	vst v5;
	v1 =	vld.idx.msk [tilespmem:v10+s5+$0x0], $0xffff  }
0xea: {  	[tilespmem:s26+$0xFFFFFF60] =	vst v6;
	v2 =	vld.idx.msk [tilespmem:v11+s5+$0x0], $0xffff  }
0xeb: {  	[tilespmem:s26+$0xFFFFFF70] =	vst v7;
	v3 =	vld.idx.msk [tilespmem:v12+s5+$0x0], $0xffff  }
0xec: {  	[tilespmem:s26+$0xFFFFFF00] =	vst v15;
	v4 =	vld.idx.msk [tilespmem:v13+s5+$0x0], $0xffff  }
0xed: {  	s28 =	simm.s32 $0x0;
	s29 =	simm.s32 $0x1A8F0;
	[tilespmem:s26+$0x0] =	vst v8;
	v5 =	vld.idx.msk [tilespmem:v14+s5+$0x0], $0xffff  }
.LBB2_11:
0xee: {  	v6 =	vld [tilespmem:s29+$0x0];
	s28 =	sadd.s32 $0x10, s28;
	[tilespmem:s26+$0x10] =	vst v0  }
0xef: {  	v0 =	vld [tilespmem:s29+$0xFFFFFF20];
	p0 =	slt.u32 s28, $0xF0;
	[tilespmem:s26+$0x20] =	vst v1  }
0xf0: {  	v1 =	vld [tilespmem:s29+$0xFFFFFF30];
	[tilespmem:s26+$0x30] =	vst v2  }
0xf1: {  	v2 =	vld [tilespmem:s29+$0xFFFFFF40];
	[tilespmem:s26+$0x40] =	vst v3  }
0xf2: {  	v3 =	vld [tilespmem:s29+$0xFFFFFF50];
	[tilespmem:s26+$0x50] =	vst v4  }
0xf3: {  	v4 =	vld [tilespmem:s29+$0xFFFFFF60];
	[tilespmem:s26+$0x60] =	vst v5  }
0xf4: {  	v5 =	vld [tilespmem:s29+$0xFFFFFF70]  }
0xf5: {  	v7 =	vld [tilespmem:s29+$0xFFFFFF80]  }
0xf6: {  	v6 =	vld.idx.msk [tilespmem:v6+s5+$0x0], $0xffff  }
0xf7: {  	v8 =	vld [tilespmem:s29+$0xFFFFFF90]  }
0xf8: {  	v9 =	vld [tilespmem:s29+$0xFFFFFFA0]  }
0xf9: {  	v10 =	vld [tilespmem:s29+$0xFFFFFFB0]  }
0xfa: {  	v11 =	vld [tilespmem:s29+$0xFFFFFFC0]  }
0xfb: {  	s26 =	sadd.s32 $0x200, s26;
	v12 =	vld [tilespmem:s29+$0xFFFFFFD0]  }
0xfc: {  	v13 =	vld [tilespmem:s29+$0xFFFFFFE0];
	[tilespmem:s26+$0x70] =	vst v6  }
0xfd: {  	v6 =	vld [tilespmem:s29+$0xFFFFFFF0]  }
0xfe: {  	v14 =	vld [tilespmem:s29+$0xFFFFFF10]  }
0xff: {  	v0 =	vld.idx.msk [tilespmem:v0+s5+$0x0], $0xffff  }
0x100: {  	v1 =	vld.idx.msk [tilespmem:v1+s5+$0x0], $0xffff  }
0x101: {  	v2 =	vld.idx.msk [tilespmem:v2+s5+$0x0], $0xffff  }
0x102: {  	v3 =	vld.idx.msk [tilespmem:v3+s5+$0x0], $0xffff  }
0x103: {  	v4 =	vld.idx.msk [tilespmem:v4+s5+$0x0], $0xffff  }
0x104: {  	v5 =	vld.idx.msk [tilespmem:v5+s5+$0x0], $0xffff  }
0x105: {  	[tilespmem:s26+$0xFFFFFF10] =	vst v0;
	v7 =	vld.idx.msk [tilespmem:v7+s5+$0x0], $0xffff  }
0x106: {  	v14 =	vld.idx.msk [tilespmem:v14+s5+$0x0], $0xffff;
	[tilespmem:s26+$0xFFFFFF20] =	vst v1  }
0x107: {  	[tilespmem:s26+$0xFFFFFF30] =	vst v2;
	v8 =	vld.idx.msk [tilespmem:v8+s5+$0x0], $0xffff  }
0x108: {  	[tilespmem:s26+$0xFFFFFF40] =	vst v3;
	v0 =	vld.idx.msk [tilespmem:v9+s5+$0x0], $0xffff  }
.Ltmp4:
0x109: {  	[tilespmem:s26+$0xFFFFFF50] =	vst v4;
	v1 =	vld.idx.msk [tilespmem:v10+s5+$0x0], $0xffff;
	(pc) =	sbr.rel @p0 .LBB2_11-.Ltmp4, $4  }
0x10a: {  	[tilespmem:s26+$0xFFFFFF60] =	vst v5;
	v2 =	vld.idx.msk [tilespmem:v11+s5+$0x0], $0xffff  }
0x10b: {  	[tilespmem:s26+$0xFFFFFF70] =	vst v7;
	v3 =	vld.idx.msk [tilespmem:v12+s5+$0x0], $0xffff  }
0x10c: {  	[tilespmem:s26+$0xFFFFFF00] =	vst v14;
	v4 =	vld.idx.msk [tilespmem:v13+s5+$0x0], $0xffff  }
0x10d: {  	s29 =	sadd.s32 $0x100, s29;
	[tilespmem:s26+$0x0] =	vst v8;
	v5 =	vld.idx.msk [tilespmem:v6+s5+$0x0], $0xffff  }
0x10e: {  	[tilespmem:s26+$0x10] =	vst v0  }
0x10f: {  	[tilespmem:s26+$0x20] =	vst v1  }
0x110: {  	[tilespmem:s26+$0x30] =	vst v2  }
0x111: {  	[tilespmem:s26+$0x40] =	vst v3  }
0x112: {  	[tilespmem:s26+$0x50] =	vst v4  }
0x113: {  	[tilespmem:s26+$0x60] =	vst v5  }
0x114: {  	_ =	swait.ge [sflag:s20], $0x1000  }
0x115: {  	s28 =	simm.s32 $0x0;
	[sflag:s20] =	ssyncset.done $0x0  }
0x116: {  	s29 =	simm.s32 $0x1C700;
	s26 =	sadd.s32 s25, s8;
	[sflag:s20] =	ssyncadd.s32 $0xFFFFF000  }
.LBB2_13:
0x117: {  	p0 =	sne.s32 s28, $0xF80  }
.Ltmp5:
0x118: {  	_ = 	snop;
	(pc) =	sbr.rel @p0 .LBB2_13-.Ltmp5, $4  }
0x119: {  	_ = 	snop  }
0x11a: {  	s30 =	sadd.s32 s28, s26  }
0x11b: {  	[hbm4b:s30+s5] =	stream.linear.scatter [tilespmem:s29], [sflag:$0x5], $0x80, $0x38;
	[tilespmem:$0x1E700] =	vst v63  }
0x11c: {  	s28 =	sadd.s32 $0x80, s28;
	s29 =	sadd.s32 $0x100, s29  }
0x11d: {  	s26 =	simm.s32 $0x1B7F0  }
0x11e: {  	v0 =	vld [tilespmem:s26+$0x0]  }
0x11f: {  	v1 =	vld [tilespmem:s26+$0xFFFFFF20]  }
0x120: {  	v2 =	vld [tilespmem:s26+$0xFFFFFF30]  }
0x121: {  	v3 =	vld [tilespmem:s26+$0xFFFFFF40]  }
0x122: {  	v4 =	vld [tilespmem:s26+$0xFFFFFF50]  }
0x123: {  	v5 =	vld [tilespmem:s26+$0xFFFFFF60]  }
0x124: {  	v6 =	vld [tilespmem:s26+$0xFFFFFF70]  }
0x125: {  	v7 =	vld [tilespmem:s26+$0xFFFFFF80]  }
0x126: {  	v8 =	vld [tilespmem:s26+$0xFFFFFF90]  }
0x127: {  	v9 =	vld [tilespmem:s26+$0xFFFFFFA0]  }
0x128: {  	v10 =	vld [tilespmem:s26+$0xFFFFFFB0]  }
0x129: {  	v11 =	vld [tilespmem:s26+$0xFFFFFFC0]  }
0x12a: {  	v12 =	vld [tilespmem:s26+$0xFFFFFFD0]  }
0x12b: {  	v13 =	vld [tilespmem:s26+$0xFFFFFFE0]  }
0x12c: {  	v14 =	vld [tilespmem:s26+$0xFFFFFFF0]  }
0x12d: {  	v15 =	vld [tilespmem:s26+$0xFFFFFF10]  }
0x12e: {  	v0 =	vld.idx.msk [tilespmem:v0+s5+$0x0], $0xffff  }
0x12f: {  	v1 =	vld.idx.msk [tilespmem:v1+s5+$0x0], $0xffff  }
0x130: {  	v2 =	vld.idx.msk [tilespmem:v2+s5+$0x0], $0xffff  }
0x131: {  	v3 =	vld.idx.msk [tilespmem:v3+s5+$0x0], $0xffff  }
0x132: {  	v4 =	vld.idx.msk [tilespmem:v4+s5+$0x0], $0xffff  }
0x133: {  	s26 =	simm.s32 $0x1C880;
	v5 =	vld.idx.msk [tilespmem:v5+s5+$0x0], $0xffff  }
0x134: {  	v6 =	vld.idx.msk [tilespmem:v6+s5+$0x0], $0xffff;
	[tilespmem:s26+$0x70] =	vst v0  }
0x135: {  	v7 =	vld.idx.msk [tilespmem:v7+s5+$0x0], $0xffff;
	[tilespmem:s26+$0xFFFFFF10] =	vst v1  }
0x136: {  	v15 =	vld.idx.msk [tilespmem:v15+s5+$0x0], $0xffff;
	[tilespmem:s26+$0xFFFFFF20] =	vst v2  }
0x137: {  	v8 =	vld.idx.msk [tilespmem:v8+s5+$0x0], $0xffff;
	[tilespmem:s26+$0xFFFFFF30] =	vst v3  }
0x138: {  	[tilespmem:s26+$0xFFFFFF40] =	vst v4;
	v0 =	vld.idx.msk [tilespmem:v9+s5+$0x0], $0xffff  }
0x139: {  	[tilespmem:s26+$0xFFFFFF50] =	vst v5;
	v1 =	vld.idx.msk [tilespmem:v10+s5+$0x0], $0xffff  }
0x13a: {  	[tilespmem:s26+$0xFFFFFF60] =	vst v6;
	v2 =	vld.idx.msk [tilespmem:v11+s5+$0x0], $0xffff  }
0x13b: {  	[tilespmem:s26+$0xFFFFFF70] =	vst v7;
	v3 =	vld.idx.msk [tilespmem:v12+s5+$0x0], $0xffff  }
0x13c: {  	[tilespmem:s26+$0xFFFFFF00] =	vst v15;
	v4 =	vld.idx.msk [tilespmem:v13+s5+$0x0], $0xffff  }
0x13d: {  	s28 =	simm.s32 $0x0;
	s29 =	simm.s32 $0x1B8F0;
	[tilespmem:s26+$0x0] =	vst v8;
	v5 =	vld.idx.msk [tilespmem:v14+s5+$0x0], $0xffff  }
.LBB2_15:
0x13e: {  	v6 =	vld [tilespmem:s29+$0x0];
	s28 =	sadd.s32 $0x10, s28;
	[tilespmem:s26+$0x10] =	vst v0  }
0x13f: {  	v0 =	vld [tilespmem:s29+$0xFFFFFF20];
	p0 =	slt.u32 s28, $0xF0;
	[tilespmem:s26+$0x20] =	vst v1  }
0x140: {  	v1 =	vld [tilespmem:s29+$0xFFFFFF30];
	[tilespmem:s26+$0x30] =	vst v2  }
0x141: {  	v2 =	vld [tilespmem:s29+$0xFFFFFF40];
	[tilespmem:s26+$0x40] =	vst v3  }
0x142: {  	v3 =	vld [tilespmem:s29+$0xFFFFFF50];
	[tilespmem:s26+$0x50] =	vst v4  }
0x143: {  	v4 =	vld [tilespmem:s29+$0xFFFFFF60];
	[tilespmem:s26+$0x60] =	vst v5  }
0x144: {  	v5 =	vld [tilespmem:s29+$0xFFFFFF70]  }
0x145: {  	v7 =	vld [tilespmem:s29+$0xFFFFFF80]  }
0x146: {  	v6 =	vld.idx.msk [tilespmem:v6+s5+$0x0], $0xffff  }
0x147: {  	v8 =	vld [tilespmem:s29+$0xFFFFFF90]  }
0x148: {  	v9 =	vld [tilespmem:s29+$0xFFFFFFA0]  }
0x149: {  	v10 =	vld [tilespmem:s29+$0xFFFFFFB0]  }
0x14a: {  	v11 =	vld [tilespmem:s29+$0xFFFFFFC0]  }
0x14b: {  	s26 =	sadd.s32 $0x200, s26;
	v12 =	vld [tilespmem:s29+$0xFFFFFFD0]  }
0x14c: {  	v13 =	vld [tilespmem:s29+$0xFFFFFFE0];
	[tilespmem:s26+$0x70] =	vst v6  }
0x14d: {  	v6 =	vld [tilespmem:s29+$0xFFFFFFF0]  }
0x14e: {  	v14 =	vld [tilespmem:s29+$0xFFFFFF10]  }
0x14f: {  	v0 =	vld.idx.msk [tilespmem:v0+s5+$0x0], $0xffff  }
0x150: {  	v1 =	vld.idx.msk [tilespmem:v1+s5+$0x0], $0xffff  }
0x151: {  	v2 =	vld.idx.msk [tilespmem:v2+s5+$0x0], $0xffff  }
0x152: {  	v3 =	vld.idx.msk [tilespmem:v3+s5+$0x0], $0xffff  }
0x153: {  	v4 =	vld.idx.msk [tilespmem:v4+s5+$0x0], $0xffff  }
0x154: {  	v5 =	vld.idx.msk [tilespmem:v5+s5+$0x0], $0xffff  }
0x155: {  	[tilespmem:s26+$0xFFFFFF10] =	vst v0;
	v7 =	vld.idx.msk [tilespmem:v7+s5+$0x0], $0xffff  }
0x156: {  	v14 =	vld.idx.msk [tilespmem:v14+s5+$0x0], $0xffff;
	[tilespmem:s26+$0xFFFFFF20] =	vst v1  }
0x157: {  	[tilespmem:s26+$0xFFFFFF30] =	vst v2;
	v8 =	vld.idx.msk [tilespmem:v8+s5+$0x0], $0xffff  }
0x158: {  	[tilespmem:s26+$0xFFFFFF40] =	vst v3;
	v0 =	vld.idx.msk [tilespmem:v9+s5+$0x0], $0xffff  }
.Ltmp6:
0x159: {  	[tilespmem:s26+$0xFFFFFF50] =	vst v4;
	v1 =	vld.idx.msk [tilespmem:v10+s5+$0x0], $0xffff;
	(pc) =	sbr.rel @p0 .LBB2_15-.Ltmp6, $4  }
0x15a: {  	[tilespmem:s26+$0xFFFFFF60] =	vst v5;
	v2 =	vld.idx.msk [tilespmem:v11+s5+$0x0], $0xffff  }
0x15b: {  	[tilespmem:s26+$0xFFFFFF70] =	vst v7;
	v3 =	vld.idx.msk [tilespmem:v12+s5+$0x0], $0xffff  }
0x15c: {  	[tilespmem:s26+$0xFFFFFF00] =	vst v14;
	v4 =	vld.idx.msk [tilespmem:v13+s5+$0x0], $0xffff  }
0x15d: {  	s29 =	sadd.s32 $0x100, s29;
	[tilespmem:s26+$0x0] =	vst v8;
	v5 =	vld.idx.msk [tilespmem:v6+s5+$0x0], $0xffff  }
0x15e: {  	[tilespmem:s26+$0x10] =	vst v0  }
0x15f: {  	[tilespmem:s26+$0x20] =	vst v1  }
0x160: {  	[tilespmem:s26+$0x30] =	vst v2  }
0x161: {  	[tilespmem:s26+$0x40] =	vst v3  }
0x162: {  	[tilespmem:s26+$0x50] =	vst v4  }
0x163: {  	[tilespmem:s26+$0x60] =	vst v5  }
0x164: {  	s25 =	sadd.s32 s25, s9;
	_ =	swait.ge [sflag:s21], $0x1000  }
0x165: {  	s28 =	simm.s32 $0x80;
	s29 =	simm.s32 $0x1C880;
	[sflag:s21] =	ssyncset.done $0x0  }
0x166: {  	s30 =	sadd.s32 $0x0, s25;
	s26 =	simm.s32 $0x1C780;
	[sflag:s21] =	ssyncadd.s32 $0xFFFFF000  }
.LBB2_17:
0x167: {  	[hbm4b:s30+s5] =	stream.linear.scatter [tilespmem:s26], [sflag:$0x6], $0x80, $0x38;
	[tilespmem:$0x1E700] =	vst v63  }
0x168: {  	s30 =	smov.u32 s28;
	s26 =	smov.u32 s29;
	p0 =	sne.s32 s28, $0xF80  }
.Ltmp7:
0x169: {  	s28 =	sadd.s32 $0x80, s28;
	(pc) =	sbr.rel @p0 .LBB2_17-.Ltmp7, $2  }
0x16a: {  	_ =	sdelay $0x2  }
0x16b: {  	s29 =	sadd.s32 $0x100, s29;
	s30 =	sadd.s32 s30, s25  }
0x16c: {  	[hbm4b:s30+s5] =	stream.linear.scatter [tilespmem:s26], [sflag:$0x6], $0x80, $0x38;
	[tilespmem:$0x1E700] =	vst v63  }
0x16d: {  	s23 =	sadd.s32 $0x1, s23  }
0x16e: {  	_ =	swait.ge [sflag:s20], $0x1000;
	p0 =	sne.s32 s23, $0x1A  }
.Ltmp8:
0x16f: {  	[sflag:s20] =	ssyncset.done $0x0;
	(pc) =	sbr.rel @p0 .LBB2_2-.Ltmp8, $4  }
0x170: {  	[sflag:s20] =	ssyncadd.s32 $0xFFFFF000  }
0x171: {  	_ =	swait.ge [sflag:s21], $0x1000  }
0x172: {  	[sflag:s21] =	ssyncset.done $0x0  }
0x173: {  	[sflag:s21] =	ssyncadd.s32 $0xFFFFF000  }
0x174: {  	s22 =	sadd.s32 $0x1, s22  }
0x175: {  	p0 =	sne.s32 s22, s10  }
.Ltmp9:
0x176: {  	_ = 	snop;
	(pc) =	sbr.rel @p0 .LBB2_1-.Ltmp9, $1  }
0x177: {  	_ =	sdelay $0x3  }
0x178: {  	_ =	sfence.sel $0x180000  }
0x179: {  	[bflag:$0x0] =	sbarrier.arrive $0xFFFF  }
0x17a: {  	p0 =	sne.s32 s3, $0x0;
	_ =	strace $0x90000047  }
0x17b: {  	s0 =	sadd.s32 @!p0 $0x100000, s0;
	[bflag:$0x2] =	sbarrier.arrive $0xFFFF  }
0x17c: {  	[sflag:s0] =	ssyncadd.tile.s32 @!p0 $0x1;
	_ =	shalt  }
.Lfunc_end2:
_tile_overlayer_lowered:
.L_overlay_start_2:
0x17d: {  	(tag) =	ssettag $0x2  }
0x17e: {  	s0 =	rddreg [dreg:$0x0];
	s2 =	stileid.u32  }
0x17f: {  	s1 =	rddreg [dreg:$0x1];
	p0 =	sne.s32 s2, $0x0  }
0x180: {  	s3 =	rddreg [dreg:$0x2];
	[bflag:$0x3] =	sbarrier.arrive $0xFFFF;
	s2 =	simm.s32 @!p0 $0x1C07  }
0x181: {  	[timem:s3], [sflag:s2] =	dma.local @!p0 [hbm:s0], s1  }
0x182: {  	s0 =	simm.s32 @!p0 $0x7  }
0x183: {  	_ =	swait.ge @!p0 [sflag:s0], s1  }
0x184: {  	s1 =	ssub.s32 @!p0 $0x0, s1;
	[sflag:s0] =	ssyncset.done @!p0 $0x0  }
0x185: {  	[sflag:s0] =	ssyncadd.s32 @!p0 s1  }
0x186: {  	[bflag:$0x3] =	sbarrier.arrive $0xFFFF  }
0x187: {  	_ =	shalt  }

</sc_bundles>
